<compile_context>
chip_gen: v7x
topology: tpu7x:2x2x1
jax: 0.10.2.dev20260603
libtpu: 0.0.44.dev20260713+nightly
codegen_flags: <defaults>
</compile_context>

<pallas_src>
import functools

import jax
import jax.numpy as jnp
from jax import lax
from jax.experimental import pallas as pl
from jax.experimental.pallas import tpu as pltpu
from jax.experimental.pallas import tpu_sc as plsc

IDX_W = 128
NSLOT = 8


@functools.lru_cache(maxsize=None)
def _make_gather(n_tot, v, d):
    info = plsc.get_sparse_core_info()
    nw = info.num_cores * info.num_subcores
    n_per_w = n_tot // nw
    t_tot = n_per_w // IDX_W
    assert n_tot % nw == 0 and n_per_w % IDX_W == 0 and t_tot % NSLOT == 0
    mesh = plsc.VectorSubcoreMesh(core_axis_name="c", subcore_axis_name="s")

    @functools.partial(
        pl.kernel,
        mesh=mesh,
        out_type=jax.ShapeDtypeStruct((n_tot, d), jnp.float32),
        compiler_params=pltpu.CompilerParams(
            use_tc_tiling_on_sc=False, needs_layout_passes=False
        ),
        scratch_types=[
            pltpu.VMEM((t_tot, IDX_W), jnp.int32),
            pltpu.VMEM((NSLOT, IDX_W, d), jnp.float32),
        ]
        + [pltpu.SemaphoreType.DMA] * (2 * NSLOT),
    )
    def gather(xf_hbm, table_hbm, out_hbm, idx_v, rows_v, *sems):
        gsems = sems[:NSLOT]
        ssems = sems[NSLOT:]
        wid = lax.axis_index("s") * info.num_cores + lax.axis_index("c")
        r0 = wid * n_per_w

        pltpu.sync_copy(xf_hbm.at[pl.ds(wid * t_tot, t_tot)], idx_v)

        def fire_gather(t, slot):
            pltpu.async_copy(
                table_hbm.at[idx_v.at[t]], rows_v.at[slot], gsems[slot]
            )

        def wait_gather(t, slot):
            pltpu.make_async_copy(
                table_hbm.at[idx_v.at[t]], rows_v.at[slot], gsems[slot]
            ).wait()

        def out_view(t):
            return out_hbm.at[pl.ds(r0 + t * IDX_W, IDX_W)]

        def fire_store(t, slot):
            pltpu.async_copy(rows_v.at[slot], out_view(t), ssems[slot])

        def wait_store(t, slot):
            pltpu.make_async_copy(rows_v.at[slot], out_view(t), ssems[slot]).wait()

        for slot in range(NSLOT):
            fire_gather(slot, slot)

        def body(r, carry):
            t0 = r * NSLOT
            for slot in range(NSLOT):
                t = t0 + slot
                wait_gather(t, slot)
                fire_store(t, slot)
            for slot in range(NSLOT):
                t = t0 + slot
                wait_store(t, slot)
                fire_gather(t + NSLOT, slot)
            return carry

        lax.fori_loop(0, t_tot // NSLOT - 1, body, 0, unroll=False)

        t0 = t_tot - NSLOT
        for slot in range(NSLOT):
            wait_gather(t0 + slot, slot)
            fire_store(t0 + slot, slot)
        for slot in range(NSLOT):
            wait_store(t0 + slot, slot)

    return gather


def kernel(x, table):
    b, h = x.shape
    v, d = table.shape
    xf = x.reshape(b * h // IDX_W, IDX_W).astype(jnp.int32)
    out = _make_gather(b * h, v, d)(xf, table)
    return out.reshape(b, h, d)

# --- scband reference (transcript-rebuilt; emitter-appended) ---
"""Pipeline reference for scband-clifford-spelling-engine-87462714016228 (READ-ONLY COPY).

The authoritative reference and input builder live on the scoring server;
editing this copy changes nothing except your own understanding.
"""

import jax, jax.numpy as jnp
import numpy as np

VOCAB = 1000000
EMBED_DIM = 64
BATCH = 16384
HIST = 50

def setup_inputs(seed: int = 0) -> dict:
    key = jax.random.key(seed)
    k_idx, k_tab = jax.random.split(key)
    x = jax.random.randint(k_idx, (BATCH, HIST), 0, VOCAB, dtype=jnp.int64) if jax.config.jax_enable_x64 else jax.random.randint(k_idx, (BATCH, HIST), 0, VOCAB, dtype=jnp.int32)
    table = jax.random.normal(k_tab, (VOCAB, EMBED_DIM), dtype=jnp.float32)
    return {"x": x, "table": table}

def reference(x, table):
    # nn.Embedding forward: row gather from the embedding table
    return jnp.take(table, x, axis=0)

if __name__ == "__main__":
    import jax
    _d = setup_inputs()
    print(jax.jit(kernel)(*tuple(_d.values())))

</pallas_src>

<mosaic_0001>
#map = affine_map<(d0, d1) -> (0, 0)>
module attributes {stable_mosaic.version = 14 : i64} {
  func.func @gather(%arg0: i32, %arg1: i32, %arg2: memref<6400x128xi32, #tpu.memory_space<hbm>>, %arg3: memref<1000000x64xf32, #tpu.memory_space<hbm>>, %arg4: memref<819200x64xf32, #tpu.memory_space<hbm>>, %arg5: memref<200x128xi32, #tpu.memory_space<vmem>>, %arg6: memref<8x128x64xf32, #tpu.memory_space<vmem>>, %arg7: memref<!tpu.dma_semaphore, #tpu.memory_space<semaphore_mem>>, %arg8: memref<!tpu.dma_semaphore, #tpu.memory_space<semaphore_mem>>, %arg9: memref<!tpu.dma_semaphore, #tpu.memory_space<semaphore_mem>>, %arg10: memref<!tpu.dma_semaphore, #tpu.memory_space<semaphore_mem>>, %arg11: memref<!tpu.dma_semaphore, #tpu.memory_space<semaphore_mem>>, %arg12: memref<!tpu.dma_semaphore, #tpu.memory_space<semaphore_mem>>, %arg13: memref<!tpu.dma_semaphore, #tpu.memory_space<semaphore_mem>>, %arg14: memref<!tpu.dma_semaphore, #tpu.memory_space<semaphore_mem>>, %arg15: memref<!tpu.dma_semaphore, #tpu.memory_space<semaphore_mem>>, %arg16: memref<!tpu.dma_semaphore, #tpu.memory_space<semaphore_mem>>, %arg17: memref<!tpu.dma_semaphore, #tpu.memory_space<semaphore_mem>>, %arg18: memref<!tpu.dma_semaphore, #tpu.memory_space<semaphore_mem>>, %arg19: memref<!tpu.dma_semaphore, #tpu.memory_space<semaphore_mem>>, %arg20: memref<!tpu.dma_semaphore, #tpu.memory_space<semaphore_mem>>, %arg21: memref<!tpu.dma_semaphore, #tpu.memory_space<semaphore_mem>>, %arg22: memref<!tpu.dma_semaphore, #tpu.memory_space<semaphore_mem>>) attributes {dimension_semantics = [#tpu.dimension_semantics<core_parallel>, #tpu.dimension_semantics<subcore_parallel>], iteration_bounds = array<i64: 2, 16>, scalar_prefetch = 0 : i64, scratch_operands = 18 : i64, tpu.core_type = #tpu.core_type<sc_vector_subcore>, window_params = [{transform_indices = #map}, {transform_indices = #map}, {transform_indices = #map}]} {
    %mul3A = arith.constant 2 : i32
    %mul3A_0 = arith.muli %arg1, %mul3A : i32
    %add3A = arith.addi %mul3A_0, %arg0 : i32
    %mul3A_1 = arith.constant 25600 : i32
    %mul3A_2 = arith.muli %add3A, %mul3A_1 : i32
    %mul3A_3 = arith.constant 200 : i32
    %mul3A_4 = arith.muli %add3A, %mul3A_3 : i32
    "tpu.region"() ({
      %run_scoped3A = tpu.sem_alloc : memref<!tpu.dma_semaphore, #tpu.memory_space<semaphore_mem>>
      %dma_start3A_440 = arith.constant 0 : i32
      %dma_start3A_441 = tpu.memref_slice %arg2[%mul3A_4, %dma_start3A_440] : memref<6400x128xi32, #tpu.memory_space<hbm>> -> memref<200x128xi32, #tpu.memory_space<hbm>>
      %dma_start3A_442 = arith.constant 0 : i32
      %dma_start3A_443 = tpu.memref_slice %arg2[%mul3A_4, %dma_start3A_442] : memref<6400x128xi32, #tpu.memory_space<hbm>> -> memref<200x128xi32, #tpu.memory_space<hbm>>
      tpu.enqueue_dma source(%dma_start3A_443 : memref<200x128xi32, #tpu.memory_space<hbm>>) target(%arg5 : memref<200x128xi32, #tpu.memory_space<vmem>>) target_semaphore(%run_scoped3A : memref<!tpu.dma_semaphore, #tpu.memory_space<semaphore_mem>>)
      %dma_wait3A_444 = arith.constant 0 : i32
      %dma_wait3A_445 = tpu.memref_slice %arg2[%mul3A_4, %dma_wait3A_444] : memref<6400x128xi32, #tpu.memory_space<hbm>> -> memref<200x128xi32, #tpu.memory_space<hbm>>
      %dma_wait3A_446 = arith.constant 0 : i32
      %dma_wait3A_447 = tpu.memref_slice %arg2[%mul3A_4, %dma_wait3A_446] : memref<6400x128xi32, #tpu.memory_space<hbm>> -> memref<200x128xi32, #tpu.memory_space<hbm>>
      tpu.wait_dma2 semaphore(%run_scoped3A : memref<!tpu.dma_semaphore, #tpu.memory_space<semaphore_mem>>) src(%dma_wait3A_447 : memref<200x128xi32, #tpu.memory_space<hbm>>) dst(%arg5 : memref<200x128xi32, #tpu.memory_space<vmem>>)
      tpu.yield
    }) : () -> ()
    %dma_start3A = arith.constant 0 : i32
    %dma_start3A_5 = arith.constant 0 : i32
    %dma_start3A_6 = arith.constant 0 : i32
    %dma_start3A_7 = arith.constant 0 : i32
    %dma_start3A_8 = tpu.memref_slice %arg6[%dma_start3A_5, %dma_start3A_6, %dma_start3A_7] : memref<8x128x64xf32, #tpu.memory_space<vmem>> -> memref<1x128x64xf32, #tpu.memory_space<vmem>>
    %dma_start3A_9 = tpu.memref_squeeze %dma_start3A_8 : memref<1x128x64xf32, #tpu.memory_space<vmem>> -> memref<128x64xf32, #tpu.memory_space<vmem>>
    %dma_start3A_10 = arith.constant 0 : i32
    %dma_start3A_11 = tpu.memref_slice %arg5[%dma_start3A, %dma_start3A_10] : memref<200x128xi32, #tpu.memory_space<vmem>> -> memref<1x128xi32, #tpu.memory_space<vmem>>
    %dma_start3A_12 = tpu.memref_squeeze %dma_start3A_11 : memref<1x128xi32, #tpu.memory_space<vmem>> -> memref<128xi32, #tpu.memory_space<vmem>>
    %dma_start3A_13 = arith.constant 0 : i32
    %dma_start3A_14 = arith.constant 0 : i32
    %dma_start3A_15 = tpu.memref_slice %arg3[%dma_start3A_13, %dma_start3A_14] : memref<1000000x64xf32, #tpu.memory_space<hbm>> -> memref<1000000x64xf32, #tpu.memory_space<hbm>>
    tpu.enqueue_indirect_dma source(%dma_start3A_15 : memref<1000000x64xf32, #tpu.memory_space<hbm>>) target(%dma_start3A_9 : memref<128x64xf32, #tpu.memory_space<vmem>>) offsets(%dma_start3A_12 : memref<128xi32, #tpu.memory_space<vmem>>) semaphore(%arg7 : memref<!tpu.dma_semaphore, #tpu.memory_space<semaphore_mem>>)
    %dma_start3A_16 = arith.constant 1 : i32
    %dma_start3A_17 = arith.constant 1 : i32
    %dma_start3A_18 = arith.constant 0 : i32
    %dma_start3A_19 = arith.constant 0 : i32
    %dma_start3A_20 = tpu.memref_slice %arg6[%dma_start3A_17, %dma_start3A_18, %dma_start3A_19] : memref<8x128x64xf32, #tpu.memory_space<vmem>> -> memref<1x128x64xf32, #tpu.memory_space<vmem>>
    %dma_start3A_21 = tpu.memref_squeeze %dma_start3A_20 : memref<1x128x64xf32, #tpu.memory_space<vmem>> -> memref<128x64xf32, #tpu.memory_space<vmem>>
    %dma_start3A_22 = arith.constant 0 : i32
    %dma_start3A_23 = tpu.memref_slice %arg5[%dma_start3A_16, %dma_start3A_22] : memref<200x128xi32, #tpu.memory_space<vmem>> -> memref<1x128xi32, #tpu.memory_space<vmem>>
    %dma_start3A_24 = tpu.memref_squeeze %dma_start3A_23 : memref<1x128xi32, #tpu.memory_space<vmem>> -> memref<128xi32, #tpu.memory_space<vmem>>
    %dma_start3A_25 = arith.constant 0 : i32
    %dma_start3A_26 = arith.constant 0 : i32
    %dma_start3A_27 = tpu.memref_slice %arg3[%dma_start3A_25, %dma_start3A_26] : memref<1000000x64xf32, #tpu.memory_space<hbm>> -> memref<1000000x64xf32, #tpu.memory_space<hbm>>
    tpu.enqueue_indirect_dma source(%dma_start3A_27 : memref<1000000x64xf32, #tpu.memory_space<hbm>>) target(%dma_start3A_21 : memref<128x64xf32, #tpu.memory_space<vmem>>) offsets(%dma_start3A_24 : memref<128xi32, #tpu.memory_space<vmem>>) semaphore(%arg8 : memref<!tpu.dma_semaphore, #tpu.memory_space<semaphore_mem>>)
    %dma_start3A_28 = arith.constant 2 : i32
    %dma_start3A_29 = arith.constant 2 : i32
    %dma_start3A_30 = arith.constant 0 : i32
    %dma_start3A_31 = arith.constant 0 : i32
    %dma_start3A_32 = tpu.memref_slice %arg6[%dma_start3A_29, %dma_start3A_30, %dma_start3A_31] : memref<8x128x64xf32, #tpu.memory_space<vmem>> -> memref<1x128x64xf32, #tpu.memory_space<vmem>>
    %dma_start3A_33 = tpu.memref_squeeze %dma_start3A_32 : memref<1x128x64xf32, #tpu.memory_space<vmem>> -> memref<128x64xf32, #tpu.memory_space<vmem>>
    %dma_start3A_34 = arith.constant 0 : i32
    %dma_start3A_35 = tpu.memref_slice %arg5[%dma_start3A_28, %dma_start3A_34] : memref<200x128xi32, #tpu.memory_space<vmem>> -> memref<1x128xi32, #tpu.memory_space<vmem>>
    %dma_start3A_36 = tpu.memref_squeeze %dma_start3A_35 : memref<1x128xi32, #tpu.memory_space<vmem>> -> memref<128xi32, #tpu.memory_space<vmem>>
    %dma_start3A_37 = arith.constant 0 : i32
    %dma_start3A_38 = arith.constant 0 : i32
    %dma_start3A_39 = tpu.memref_slice %arg3[%dma_start3A_37, %dma_start3A_38] : memref<1000000x64xf32, #tpu.memory_space<hbm>> -> memref<1000000x64xf32, #tpu.memory_space<hbm>>
    tpu.enqueue_indirect_dma source(%dma_start3A_39 : memref<1000000x64xf32, #tpu.memory_space<hbm>>) target(%dma_start3A_33 : memref<128x64xf32, #tpu.memory_space<vmem>>) offsets(%dma_start3A_36 : memref<128xi32, #tpu.memory_space<vmem>>) semaphore(%arg9 : memref<!tpu.dma_semaphore, #tpu.memory_space<semaphore_mem>>)
    %dma_start3A_40 = arith.constant 3 : i32
    %dma_start3A_41 = arith.constant 3 : i32
    %dma_start3A_42 = arith.constant 0 : i32
    %dma_start3A_43 = arith.constant 0 : i32
    %dma_start3A_44 = tpu.memref_slice %arg6[%dma_start3A_41, %dma_start3A_42, %dma_start3A_43] : memref<8x128x64xf32, #tpu.memory_space<vmem>> -> memref<1x128x64xf32, #tpu.memory_space<vmem>>
    %dma_start3A_45 = tpu.memref_squeeze %dma_start3A_44 : memref<1x128x64xf32, #tpu.memory_space<vmem>> -> memref<128x64xf32, #tpu.memory_space<vmem>>
    %dma_start3A_46 = arith.constant 0 : i32
    %dma_start3A_47 = tpu.memref_slice %arg5[%dma_start3A_40, %dma_start3A_46] : memref<200x128xi32, #tpu.memory_space<vmem>> -> memref<1x128xi32, #tpu.memory_space<vmem>>
    %dma_start3A_48 = tpu.memref_squeeze %dma_start3A_47 : memref<1x128xi32, #tpu.memory_space<vmem>> -> memref<128xi32, #tpu.memory_space<vmem>>
    %dma_start3A_49 = arith.constant 0 : i32
    %dma_start3A_50 = arith.constant 0 : i32
    %dma_start3A_51 = tpu.memref_slice %arg3[%dma_start3A_49, %dma_start3A_50] : memref<1000000x64xf32, #tpu.memory_space<hbm>> -> memref<1000000x64xf32, #tpu.memory_space<hbm>>
    tpu.enqueue_indirect_dma source(%dma_start3A_51 : memref<1000000x64xf32, #tpu.memory_space<hbm>>) target(%dma_start3A_45 : memref<128x64xf32, #tpu.memory_space<vmem>>) offsets(%dma_start3A_48 : memref<128xi32, #tpu.memory_space<vmem>>) semaphore(%arg10 : memref<!tpu.dma_semaphore, #tpu.memory_space<semaphore_mem>>)
    %dma_start3A_52 = arith.constant 4 : i32
    %dma_start3A_53 = arith.constant 4 : i32
    %dma_start3A_54 = arith.constant 0 : i32
    %dma_start3A_55 = arith.constant 0 : i32
    %dma_start3A_56 = tpu.memref_slice %arg6[%dma_start3A_53, %dma_start3A_54, %dma_start3A_55] : memref<8x128x64xf32, #tpu.memory_space<vmem>> -> memref<1x128x64xf32, #tpu.memory_space<vmem>>
    %dma_start3A_57 = tpu.memref_squeeze %dma_start3A_56 : memref<1x128x64xf32, #tpu.memory_space<vmem>> -> memref<128x64xf32, #tpu.memory_space<vmem>>
    %dma_start3A_58 = arith.constant 0 : i32
    %dma_start3A_59 = tpu.memref_slice %arg5[%dma_start3A_52, %dma_start3A_58] : memref<200x128xi32, #tpu.memory_space<vmem>> -> memref<1x128xi32, #tpu.memory_space<vmem>>
    %dma_start3A_60 = tpu.memref_squeeze %dma_start3A_59 : memref<1x128xi32, #tpu.memory_space<vmem>> -> memref<128xi32, #tpu.memory_space<vmem>>
    %dma_start3A_61 = arith.constant 0 : i32
    %dma_start3A_62 = arith.constant 0 : i32
    %dma_start3A_63 = tpu.memref_slice %arg3[%dma_start3A_61, %dma_start3A_62] : memref<1000000x64xf32, #tpu.memory_space<hbm>> -> memref<1000000x64xf32, #tpu.memory_space<hbm>>
    tpu.enqueue_indirect_dma source(%dma_start3A_63 : memref<1000000x64xf32, #tpu.memory_space<hbm>>) target(%dma_start3A_57 : memref<128x64xf32, #tpu.memory_space<vmem>>) offsets(%dma_start3A_60 : memref<128xi32, #tpu.memory_space<vmem>>) semaphore(%arg11 : memref<!tpu.dma_semaphore, #tpu.memory_space<semaphore_mem>>)
    %dma_start3A_64 = arith.constant 5 : i32
    %dma_start3A_65 = arith.constant 5 : i32
    %dma_start3A_66 = arith.constant 0 : i32
    %dma_start3A_67 = arith.constant 0 : i32
    %dma_start3A_68 = tpu.memref_slice %arg6[%dma_start3A_65, %dma_start3A_66, %dma_start3A_67] : memref<8x128x64xf32, #tpu.memory_space<vmem>> -> memref<1x128x64xf32, #tpu.memory_space<vmem>>
    %dma_start3A_69 = tpu.memref_squeeze %dma_start3A_68 : memref<1x128x64xf32, #tpu.memory_space<vmem>> -> memref<128x64xf32, #tpu.memory_space<vmem>>
    %dma_start3A_70 = arith.constant 0 : i32
    %dma_start3A_71 = tpu.memref_slice %arg5[%dma_start3A_64, %dma_start3A_70] : memref<200x128xi32, #tpu.memory_space<vmem>> -> memref<1x128xi32, #tpu.memory_space<vmem>>
    %dma_start3A_72 = tpu.memref_squeeze %dma_start3A_71 : memref<1x128xi32, #tpu.memory_space<vmem>> -> memref<128xi32, #tpu.memory_space<vmem>>
    %dma_start3A_73 = arith.constant 0 : i32
    %dma_start3A_74 = arith.constant 0 : i32
    %dma_start3A_75 = tpu.memref_slice %arg3[%dma_start3A_73, %dma_start3A_74] : memref<1000000x64xf32, #tpu.memory_space<hbm>> -> memref<1000000x64xf32, #tpu.memory_space<hbm>>
    tpu.enqueue_indirect_dma source(%dma_start3A_75 : memref<1000000x64xf32, #tpu.memory_space<hbm>>) target(%dma_start3A_69 : memref<128x64xf32, #tpu.memory_space<vmem>>) offsets(%dma_start3A_72 : memref<128xi32, #tpu.memory_space<vmem>>) semaphore(%arg12 : memref<!tpu.dma_semaphore, #tpu.memory_space<semaphore_mem>>)
    %dma_start3A_76 = arith.constant 6 : i32
    %dma_start3A_77 = arith.constant 6 : i32
    %dma_start3A_78 = arith.constant 0 : i32
    %dma_start3A_79 = arith.constant 0 : i32
    %dma_start3A_80 = tpu.memref_slice %arg6[%dma_start3A_77, %dma_start3A_78, %dma_start3A_79] : memref<8x128x64xf32, #tpu.memory_space<vmem>> -> memref<1x128x64xf32, #tpu.memory_space<vmem>>
    %dma_start3A_81 = tpu.memref_squeeze %dma_start3A_80 : memref<1x128x64xf32, #tpu.memory_space<vmem>> -> memref<128x64xf32, #tpu.memory_space<vmem>>
    %dma_start3A_82 = arith.constant 0 : i32
    %dma_start3A_83 = tpu.memref_slice %arg5[%dma_start3A_76, %dma_start3A_82] : memref<200x128xi32, #tpu.memory_space<vmem>> -> memref<1x128xi32, #tpu.memory_space<vmem>>
    %dma_start3A_84 = tpu.memref_squeeze %dma_start3A_83 : memref<1x128xi32, #tpu.memory_space<vmem>> -> memref<128xi32, #tpu.memory_space<vmem>>
    %dma_start3A_85 = arith.constant 0 : i32
    %dma_start3A_86 = arith.constant 0 : i32
    %dma_start3A_87 = tpu.memref_slice %arg3[%dma_start3A_85, %dma_start3A_86] : memref<1000000x64xf32, #tpu.memory_space<hbm>> -> memref<1000000x64xf32, #tpu.memory_space<hbm>>
    tpu.enqueue_indirect_dma source(%dma_start3A_87 : memref<1000000x64xf32, #tpu.memory_space<hbm>>) target(%dma_start3A_81 : memref<128x64xf32, #tpu.memory_space<vmem>>) offsets(%dma_start3A_84 : memref<128xi32, #tpu.memory_space<vmem>>) semaphore(%arg13 : memref<!tpu.dma_semaphore, #tpu.memory_space<semaphore_mem>>)
    %dma_start3A_88 = arith.constant 7 : i32
    %dma_start3A_89 = arith.constant 7 : i32
    %dma_start3A_90 = arith.constant 0 : i32
    %dma_start3A_91 = arith.constant 0 : i32
    %dma_start3A_92 = tpu.memref_slice %arg6[%dma_start3A_89, %dma_start3A_90, %dma_start3A_91] : memref<8x128x64xf32, #tpu.memory_space<vmem>> -> memref<1x128x64xf32, #tpu.memory_space<vmem>>
    %dma_start3A_93 = tpu.memref_squeeze %dma_start3A_92 : memref<1x128x64xf32, #tpu.memory_space<vmem>> -> memref<128x64xf32, #tpu.memory_space<vmem>>
    %dma_start3A_94 = arith.constant 0 : i32
    %dma_start3A_95 = tpu.memref_slice %arg5[%dma_start3A_88, %dma_start3A_94] : memref<200x128xi32, #tpu.memory_space<vmem>> -> memref<1x128xi32, #tpu.memory_space<vmem>>
    %dma_start3A_96 = tpu.memref_squeeze %dma_start3A_95 : memref<1x128xi32, #tpu.memory_space<vmem>> -> memref<128xi32, #tpu.memory_space<vmem>>
    %dma_start3A_97 = arith.constant 0 : i32
    %dma_start3A_98 = arith.constant 0 : i32
    %dma_start3A_99 = tpu.memref_slice %arg3[%dma_start3A_97, %dma_start3A_98] : memref<1000000x64xf32, #tpu.memory_space<hbm>> -> memref<1000000x64xf32, #tpu.memory_space<hbm>>
    tpu.enqueue_indirect_dma source(%dma_start3A_99 : memref<1000000x64xf32, #tpu.memory_space<hbm>>) target(%dma_start3A_93 : memref<128x64xf32, #tpu.memory_space<vmem>>) offsets(%dma_start3A_96 : memref<128xi32, #tpu.memory_space<vmem>>) semaphore(%arg14 : memref<!tpu.dma_semaphore, #tpu.memory_space<semaphore_mem>>)
    %scan3A = arith.constant 0 : i32
    %scan3A_100 = arith.constant 0 : i32
    %scan3A_101 = arith.constant 24 : i32
    %scan3A_102 = arith.addi %scan3A_100, %scan3A_101 : i32
    %scan3A_103 = arith.constant 1 : i32
    scf.for %scan3A_440 = %scan3A_100 to %scan3A_102 step %scan3A_103  : i32 {
      %mul3A_441 = arith.constant 8 : i32
      %mul3A_442 = arith.muli %scan3A_440, %mul3A_441 : i32
      %add3A_443 = arith.constant 0 : i32
      %add3A_444 = arith.addi %mul3A_442, %add3A_443 : i32
      %dma_wait3A_445 = arith.constant 0 : i32
      %dma_wait3A_446 = arith.constant 0 : i32
      %dma_wait3A_447 = arith.constant 0 : i32
      %dma_wait3A_448 = tpu.memref_slice %arg6[%dma_wait3A_445, %dma_wait3A_446, %dma_wait3A_447] : memref<8x128x64xf32, #tpu.memory_space<vmem>> -> memref<1x128x64xf32, #tpu.memory_space<vmem>>
      %dma_wait3A_449 = tpu.memref_squeeze %dma_wait3A_448 : memref<1x128x64xf32, #tpu.memory_space<vmem>> -> memref<128x64xf32, #tpu.memory_space<vmem>>
      %dma_wait3A_450 = arith.constant 0 : i32
      %dma_wait3A_451 = tpu.memref_slice %arg5[%add3A_444, %dma_wait3A_450] : memref<200x128xi32, #tpu.memory_space<vmem>> -> memref<1x128xi32, #tpu.memory_space<vmem>>
      %dma_wait3A_452 = tpu.memref_squeeze %dma_wait3A_451 : memref<1x128xi32, #tpu.memory_space<vmem>> -> memref<128xi32, #tpu.memory_space<vmem>>
      %dma_wait3A_453 = arith.constant 0 : i32
      %dma_wait3A_454 = arith.constant 0 : i32
      %dma_wait3A_455 = tpu.memref_slice %arg3[%dma_wait3A_453, %dma_wait3A_454] : memref<1000000x64xf32, #tpu.memory_space<hbm>> -> memref<1000000x64xf32, #tpu.memory_space<hbm>>
      tpu.wait_indirect_dma semaphore(%arg7 : memref<!tpu.dma_semaphore, #tpu.memory_space<semaphore_mem>>) src(%dma_wait3A_455 : memref<1000000x64xf32, #tpu.memory_space<hbm>>) dst(%dma_wait3A_449 : memref<128x64xf32, #tpu.memory_space<vmem>>)
      %mul3A_456 = arith.constant 128 : i32
      %mul3A_457 = arith.muli %add3A_444, %mul3A_456 : i32
      %add3A_458 = arith.addi %mul3A_2, %mul3A_457 : i32
      %dma_start3A_459 = arith.constant 0 : i32
      %dma_start3A_460 = arith.constant 0 : i32
      %dma_start3A_461 = arith.constant 0 : i32
      %dma_start3A_462 = tpu.memref_slice %arg6[%dma_start3A_459, %dma_start3A_460, %dma_start3A_461] : memref<8x128x64xf32, #tpu.memory_space<vmem>> -> memref<1x128x64xf32, #tpu.memory_space<vmem>>
      %dma_start3A_463 = tpu.memref_squeeze %dma_start3A_462 : memref<1x128x64xf32, #tpu.memory_space<vmem>> -> memref<128x64xf32, #tpu.memory_space<vmem>>
      %dma_start3A_464 = arith.constant 0 : i32
      %dma_start3A_465 = tpu.memref_slice %arg4[%add3A_458, %dma_start3A_464] : memref<819200x64xf32, #tpu.memory_space<hbm>> -> memref<128x64xf32, #tpu.memory_space<hbm>>
      %dma_start3A_466 = arith.constant 0 : i32
      %dma_start3A_467 = tpu.memref_slice %arg4[%add3A_458, %dma_start3A_466] : memref<819200x64xf32, #tpu.memory_space<hbm>> -> memref<128x64xf32, #tpu.memory_space<hbm>>
      %dma_start3A_468 = arith.constant 0 : i32
      %dma_start3A_469 = arith.constant 0 : i32
      %dma_start3A_470 = tpu.memref_slice %arg6[%dma_start3A_459, %dma_start3A_468, %dma_start3A_469] : memref<8x128x64xf32, #tpu.memory_space<vmem>> -> memref<1x128x64xf32, #tpu.memory_space<vmem>>
      %dma_start3A_471 = tpu.memref_squeeze %dma_start3A_470 : memref<1x128x64xf32, #tpu.memory_space<vmem>> -> memref<128x64xf32, #tpu.memory_space<vmem>>
      tpu.enqueue_dma source(%dma_start3A_471 : memref<128x64xf32, #tpu.memory_space<vmem>>) target(%dma_start3A_467 : memref<128x64xf32, #tpu.memory_space<hbm>>) target_semaphore(%arg15 : memref<!tpu.dma_semaphore, #tpu.memory_space<semaphore_mem>>)
      %add3A_472 = arith.constant 1 : i32
      %add3A_473 = arith.addi %mul3A_442, %add3A_472 : i32
      %dma_wait3A_474 = arith.constant 1 : i32
      %dma_wait3A_475 = arith.constant 0 : i32
      %dma_wait3A_476 = arith.constant 0 : i32
      %dma_wait3A_477 = tpu.memref_slice %arg6[%dma_wait3A_474, %dma_wait3A_475, %dma_wait3A_476] : memref<8x128x64xf32, #tpu.memory_space<vmem>> -> memref<1x128x64xf32, #tpu.memory_space<vmem>>
      %dma_wait3A_478 = tpu.memref_squeeze %dma_wait3A_477 : memref<1x128x64xf32, #tpu.memory_space<vmem>> -> memref<128x64xf32, #tpu.memory_space<vmem>>
      %dma_wait3A_479 = arith.constant 0 : i32
      %dma_wait3A_480 = tpu.memref_slice %arg5[%add3A_473, %dma_wait3A_479] : memref<200x128xi32, #tpu.memory_space<vmem>> -> memref<1x128xi32, #tpu.memory_space<vmem>>
      %dma_wait3A_481 = tpu.memref_squeeze %dma_wait3A_480 : memref<1x128xi32, #tpu.memory_space<vmem>> -> memref<128xi32, #tpu.memory_space<vmem>>
      %dma_wait3A_482 = arith.constant 0 : i32
      %dma_wait3A_483 = arith.constant 0 : i32
      %dma_wait3A_484 = tpu.memref_slice %arg3[%dma_wait3A_482, %dma_wait3A_483] : memref<1000000x64xf32, #tpu.memory_space<hbm>> -> memref<1000000x64xf32, #tpu.memory_space<hbm>>
      tpu.wait_indirect_dma semaphore(%arg8 : memref<!tpu.dma_semaphore, #tpu.memory_space<semaphore_mem>>) src(%dma_wait3A_484 : memref<1000000x64xf32, #tpu.memory_space<hbm>>) dst(%dma_wait3A_478 : memref<128x64xf32, #tpu.memory_space<vmem>>)
      %mul3A_485 = arith.constant 128 : i32
      %mul3A_486 = arith.muli %add3A_473, %mul3A_485 : i32
      %add3A_487 = arith.addi %mul3A_2, %mul3A_486 : i32
      %dma_start3A_488 = arith.constant 1 : i32
      %dma_start3A_489 = arith.constant 0 : i32
      %dma_start3A_490 = arith.constant 0 : i32
      %dma_start3A_491 = tpu.memref_slice %arg6[%dma_start3A_488, %dma_start3A_489, %dma_start3A_490] : memref<8x128x64xf32, #tpu.memory_space<vmem>> -> memref<1x128x64xf32, #tpu.memory_space<vmem>>
      %dma_start3A_492 = tpu.memref_squeeze %dma_start3A_491 : memref<1x128x64xf32, #tpu.memory_space<vmem>> -> memref<128x64xf32, #tpu.memory_space<vmem>>
      %dma_start3A_493 = arith.constant 0 : i32
      %dma_start3A_494 = tpu.memref_slice %arg4[%add3A_487, %dma_start3A_493] : memref<819200x64xf32, #tpu.memory_space<hbm>> -> memref<128x64xf32, #tpu.memory_space<hbm>>
      %dma_start3A_495 = arith.constant 0 : i32
      %dma_start3A_496 = tpu.memref_slice %arg4[%add3A_487, %dma_start3A_495] : memref<819200x64xf32, #tpu.memory_space<hbm>> -> memref<128x64xf32, #tpu.memory_space<hbm>>
      %dma_start3A_497 = arith.constant 0 : i32
      %dma_start3A_498 = arith.constant 0 : i32
      %dma_start3A_499 = tpu.memref_slice %arg6[%dma_start3A_488, %dma_start3A_497, %dma_start3A_498] : memref<8x128x64xf32, #tpu.memory_space<vmem>> -> memref<1x128x64xf32, #tpu.memory_space<vmem>>
      %dma_start3A_500 = tpu.memref_squeeze %dma_start3A_499 : memref<1x128x64xf32, #tpu.memory_space<vmem>> -> memref<128x64xf32, #tpu.memory_space<vmem>>
      tpu.enqueue_dma source(%dma_start3A_500 : memref<128x64xf32, #tpu.memory_space<vmem>>) target(%dma_start3A_496 : memref<128x64xf32, #tpu.memory_space<hbm>>) target_semaphore(%arg16 : memref<!tpu.dma_semaphore, #tpu.memory_space<semaphore_mem>>)
      %add3A_501 = arith.constant 2 : i32
      %add3A_502 = arith.addi %mul3A_442, %add3A_501 : i32
      %dma_wait3A_503 = arith.constant 2 : i32
      %dma_wait3A_504 = arith.constant 0 : i32
      %dma_wait3A_505 = arith.constant 0 : i32
      %dma_wait3A_506 = tpu.memref_slice %arg6[%dma_wait3A_503, %dma_wait3A_504, %dma_wait3A_505] : memref<8x128x64xf32, #tpu.memory_space<vmem>> -> memref<1x128x64xf32, #tpu.memory_space<vmem>>
      %dma_wait3A_507 = tpu.memref_squeeze %dma_wait3A_506 : memref<1x128x64xf32, #tpu.memory_space<vmem>> -> memref<128x64xf32, #tpu.memory_space<vmem>>
      %dma_wait3A_508 = arith.constant 0 : i32
      %dma_wait3A_509 = tpu.memref_slice %arg5[%add3A_502, %dma_wait3A_508] : memref<200x128xi32, #tpu.memory_space<vmem>> -> memref<1x128xi32, #tpu.memory_space<vmem>>
      %dma_wait3A_510 = tpu.memref_squeeze %dma_wait3A_509 : memref<1x128xi32, #tpu.memory_space<vmem>> -> memref<128xi32, #tpu.memory_space<vmem>>
      %dma_wait3A_511 = arith.constant 0 : i32
      %dma_wait3A_512 = arith.constant 0 : i32
      %dma_wait3A_513 = tpu.memref_slice %arg3[%dma_wait3A_511, %dma_wait3A_512] : memref<1000000x64xf32, #tpu.memory_space<hbm>> -> memref<1000000x64xf32, #tpu.memory_space<hbm>>
      tpu.wait_indirect_dma semaphore(%arg9 : memref<!tpu.dma_semaphore, #tpu.memory_space<semaphore_mem>>) src(%dma_wait3A_513 : memref<1000000x64xf32, #tpu.memory_space<hbm>>) dst(%dma_wait3A_507 : memref<128x64xf32, #tpu.memory_space<vmem>>)
      %mul3A_514 = arith.constant 128 : i32
      %mul3A_515 = arith.muli %add3A_502, %mul3A_514 : i32
      %add3A_516 = arith.addi %mul3A_2, %mul3A_515 : i32
      %dma_start3A_517 = arith.constant 2 : i32
      %dma_start3A_518 = arith.constant 0 : i32
      %dma_start3A_519 = arith.constant 0 : i32
      %dma_start3A_520 = tpu.memref_slice %arg6[%dma_start3A_517, %dma_start3A_518, %dma_start3A_519] : memref<8x128x64xf32, #tpu.memory_space<vmem>> -> memref<1x128x64xf32, #tpu.memory_space<vmem>>
      %dma_start3A_521 = tpu.memref_squeeze %dma_start3A_520 : memref<1x128x64xf32, #tpu.memory_space<vmem>> -> memref<128x64xf32, #tpu.memory_space<vmem>>
      %dma_start3A_522 = arith.constant 0 : i32
      %dma_start3A_523 = tpu.memref_slice %arg4[%add3A_516, %dma_start3A_522] : memref<819200x64xf32, #tpu.memory_space<hbm>> -> memref<128x64xf32, #tpu.memory_space<hbm>>
      %dma_start3A_524 = arith.constant 0 : i32
      %dma_start3A_525 = tpu.memref_slice %arg4[%add3A_516, %dma_start3A_524] : memref<819200x64xf32, #tpu.memory_space<hbm>> -> memref<128x64xf32, #tpu.memory_space<hbm>>
      %dma_start3A_526 = arith.constant 0 : i32
      %dma_start3A_527 = arith.constant 0 : i32
      %dma_start3A_528 = tpu.memref_slice %arg6[%dma_start3A_517, %dma_start3A_526, %dma_start3A_527] : memref<8x128x64xf32, #tpu.memory_space<vmem>> -> memref<1x128x64xf32, #tpu.memory_space<vmem>>
      %dma_start3A_529 = tpu.memref_squeeze %dma_start3A_528 : memref<1x128x64xf32, #tpu.memory_space<vmem>> -> memref<128x64xf32, #tpu.memory_space<vmem>>
      tpu.enqueue_dma source(%dma_start3A_529 : memref<128x64xf32, #tpu.memory_space<vmem>>) target(%dma_start3A_525 : memref<128x64xf32, #tpu.memory_space<hbm>>) target_semaphore(%arg17 : memref<!tpu.dma_semaphore, #tpu.memory_space<semaphore_mem>>)
      %add3A_530 = arith.constant 3 : i32
      %add3A_531 = arith.addi %mul3A_442, %add3A_530 : i32
      %dma_wait3A_532 = arith.constant 3 : i32
      %dma_wait3A_533 = arith.constant 0 : i32
      %dma_wait3A_534 = arith.constant 0 : i32
      %dma_wait3A_535 = tpu.memref_slice %arg6[%dma_wait3A_532, %dma_wait3A_533, %dma_wait3A_534] : memref<8x128x64xf32, #tpu.memory_space<vmem>> -> memref<1x128x64xf32, #tpu.memory_space<vmem>>
      %dma_wait3A_536 = tpu.memref_squeeze %dma_wait3A_535 : memref<1x128x64xf32, #tpu.memory_space<vmem>> -> memref<128x64xf32, #tpu.memory_space<vmem>>
      %dma_wait3A_537 = arith.constant 0 : i32
      %dma_wait3A_538 = tpu.memref_slice %arg5[%add3A_531, %dma_wait3A_537] : memref<200x128xi32, #tpu.memory_space<vmem>> -> memref<1x128xi32, #tpu.memory_space<vmem>>
      %dma_wait3A_539 = tpu.memref_squeeze %dma_wait3A_538 : memref<1x128xi32, #tpu.memory_space<vmem>> -> memref<128xi32, #tpu.memory_space<vmem>>
      %dma_wait3A_540 = arith.constant 0 : i32
      %dma_wait3A_541 = arith.constant 0 : i32
      %dma_wait3A_542 = tpu.memref_slice %arg3[%dma_wait3A_540, %dma_wait3A_541] : memref<1000000x64xf32, #tpu.memory_space<hbm>> -> memref<1000000x64xf32, #tpu.memory_space<hbm>>
      tpu.wait_indirect_dma semaphore(%arg10 : memref<!tpu.dma_semaphore, #tpu.memory_space<semaphore_mem>>) src(%dma_wait3A_542 : memref<1000000x64xf32, #tpu.memory_space<hbm>>) dst(%dma_wait3A_536 : memref<128x64xf32, #tpu.memory_space<vmem>>)
      %mul3A_543 = arith.constant 128 : i32
      %mul3A_544 = arith.muli %add3A_531, %mul3A_543 : i32
      %add3A_545 = arith.addi %mul3A_2, %mul3A_544 : i32
      %dma_start3A_546 = arith.constant 3 : i32
      %dma_start3A_547 = arith.constant 0 : i32
      %dma_start3A_548 = arith.constant 0 : i32
      %dma_start3A_549 = tpu.memref_slice %arg6[%dma_start3A_546, %dma_start3A_547, %dma_start3A_548] : memref<8x128x64xf32, #tpu.memory_space<vmem>> -> memref<1x128x64xf32, #tpu.memory_space<vmem>>
      %dma_start3A_550 = tpu.memref_squeeze %dma_start3A_549 : memref<1x128x64xf32, #tpu.memory_space<vmem>> -> memref<128x64xf32, #tpu.memory_space<vmem>>
      %dma_start3A_551 = arith.constant 0 : i32
      %dma_start3A_552 = tpu.memref_slice %arg4[%add3A_545, %dma_start3A_551] : memref<819200x64xf32, #tpu.memory_space<hbm>> -> memref<128x64xf32, #tpu.memory_space<hbm>>
      %dma_start3A_553 = arith.constant 0 : i32
      %dma_start3A_554 = tpu.memref_slice %arg4[%add3A_545, %dma_start3A_553] : memref<819200x64xf32, #tpu.memory_space<hbm>> -> memref<128x64xf32, #tpu.memory_space<hbm>>
      %dma_start3A_555 = arith.constant 0 : i32
      %dma_start3A_556 = arith.constant 0 : i32
      %dma_start3A_557 = tpu.memref_slice %arg6[%dma_start3A_546, %dma_start3A_555, %dma_start3A_556] : memref<8x128x64xf32, #tpu.memory_space<vmem>> -> memref<1x128x64xf32, #tpu.memory_space<vmem>>
      %dma_start3A_558 = tpu.memref_squeeze %dma_start3A_557 : memref<1x128x64xf32, #tpu.memory_space<vmem>> -> memref<128x64xf32, #tpu.memory_space<vmem>>
      tpu.enqueue_dma source(%dma_start3A_558 : memref<128x64xf32, #tpu.memory_space<vmem>>) target(%dma_start3A_554 : memref<128x64xf32, #tpu.memory_space<hbm>>) target_semaphore(%arg18 : memref<!tpu.dma_semaphore, #tpu.memory_space<semaphore_mem>>)
      %add3A_559 = arith.constant 4 : i32
      %add3A_560 = arith.addi %mul3A_442, %add3A_559 : i32
      %dma_wait3A_561 = arith.constant 4 : i32
      %dma_wait3A_562 = arith.constant 0 : i32
      %dma_wait3A_563 = arith.constant 0 : i32
      %dma_wait3A_564 = tpu.memref_slice %arg6[%dma_wait3A_561, %dma_wait3A_562, %dma_wait3A_563] : memref<8x128x64xf32, #tpu.memory_space<vmem>> -> memref<1x128x64xf32, #tpu.memory_space<vmem>>
      %dma_wait3A_565 = tpu.memref_squeeze %dma_wait3A_564 : memref<1x128x64xf32, #tpu.memory_space<vmem>> -> memref<128x64xf32, #tpu.memory_space<vmem>>
      %dma_wait3A_566 = arith.constant 0 : i32
      %dma_wait3A_567 = tpu.memref_slice %arg5[%add3A_560, %dma_wait3A_566] : memref<200x128xi32, #tpu.memory_space<vmem>> -> memref<1x128xi32, #tpu.memory_space<vmem>>
      %dma_wait3A_568 = tpu.memref_squeeze %dma_wait3A_567 : memref<1x128xi32, #tpu.memory_space<vmem>> -> memref<128xi32, #tpu.memory_space<vmem>>
      %dma_wait3A_569 = arith.constant 0 : i32
      %dma_wait3A_570 = arith.constant 0 : i32
      %dma_wait3A_571 = tpu.memref_slice %arg3[%dma_wait3A_569, %dma_wait3A_570] : memref<1000000x64xf32, #tpu.memory_space<hbm>> -> memref<1000000x64xf32, #tpu.memory_space<hbm>>
      tpu.wait_indirect_dma semaphore(%arg11 : memref<!tpu.dma_semaphore, #tpu.memory_space<semaphore_mem>>) src(%dma_wait3A_571 : memref<1000000x64xf32, #tpu.memory_space<hbm>>) dst(%dma_wait3A_565 : memref<128x64xf32, #tpu.memory_space<vmem>>)
      %mul3A_572 = arith.constant 128 : i32
      %mul3A_573 = arith.muli %add3A_560, %mul3A_572 : i32
      %add3A_574 = arith.addi %mul3A_2, %mul3A_573 : i32
      %dma_start3A_575 = arith.constant 4 : i32
      %dma_start3A_576 = arith.constant 0 : i32
      %dma_start3A_577 = arith.constant 0 : i32
      %dma_start3A_578 = tpu.memref_slice %arg6[%dma_start3A_575, %dma_start3A_576, %dma_start3A_577] : memref<8x128x64xf32, #tpu.memory_space<vmem>> -> memref<1x128x64xf32, #tpu.memory_space<vmem>>
      %dma_start3A_579 = tpu.memref_squeeze %dma_start3A_578 : memref<1x128x64xf32, #tpu.memory_space<vmem>> -> memref<128x64xf32, #tpu.memory_space<vmem>>
      %dma_start3A_580 = arith.constant 0 : i32
      %dma_start3A_581 = tpu.memref_slice %arg4[%add3A_574, %dma_start3A_580] : memref<819200x64xf32, #tpu.memory_space<hbm>> -> memref<128x64xf32, #tpu.memory_space<hbm>>
      %dma_start3A_582 = arith.constant 0 : i32
      %dma_start3A_583 = tpu.memref_slice %arg4[%add3A_574, %dma_start3A_582] : memref<819200x64xf32, #tpu.memory_space<hbm>> -> memref<128x64xf32, #tpu.memory_space<hbm>>
      %dma_start3A_584 = arith.constant 0 : i32
      %dma_start3A_585 = arith.constant 0 : i32
      %dma_start3A_586 = tpu.memref_slice %arg6[%dma_start3A_575, %dma_start3A_584, %dma_start3A_585] : memref<8x128x64xf32, #tpu.memory_space<vmem>> -> memref<1x128x64xf32, #tpu.memory_space<vmem>>
      %dma_start3A_587 = tpu.memref_squeeze %dma_start3A_586 : memref<1x128x64xf32, #tpu.memory_space<vmem>> -> memref<128x64xf32, #tpu.memory_space<vmem>>
      tpu.enqueue_dma source(%dma_start3A_587 : memref<128x64xf32, #tpu.memory_space<vmem>>) target(%dma_start3A_583 : memref<128x64xf32, #tpu.memory_space<hbm>>) target_semaphore(%arg19 : memref<!tpu.dma_semaphore, #tpu.memory_space<semaphore_mem>>)
      %add3A_588 = arith.constant 5 : i32
      %add3A_589 = arith.addi %mul3A_442, %add3A_588 : i32
      %dma_wait3A_590 = arith.constant 5 : i32
      %dma_wait3A_591 = arith.constant 0 : i32
      %dma_wait3A_592 = arith.constant 0 : i32
      %dma_wait3A_593 = tpu.memref_slice %arg6[%dma_wait3A_590, %dma_wait3A_591, %dma_wait3A_592] : memref<8x128x64xf32, #tpu.memory_space<vmem>> -> memref<1x128x64xf32, #tpu.memory_space<vmem>>
      %dma_wait3A_594 = tpu.memref_squeeze %dma_wait3A_593 : memref<1x128x64xf32, #tpu.memory_space<vmem>> -> memref<128x64xf32, #tpu.memory_space<vmem>>
      %dma_wait3A_595 = arith.constant 0 : i32
      %dma_wait3A_596 = tpu.memref_slice %arg5[%add3A_589, %dma_wait3A_595] : memref<200x128xi32, #tpu.memory_space<vmem>> -> memref<1x128xi32, #tpu.memory_space<vmem>>
      %dma_wait3A_597 = tpu.memref_squeeze %dma_wait3A_596 : memref<1x128xi32, #tpu.memory_space<vmem>> -> memref<128xi32, #tpu.memory_space<vmem>>
      %dma_wait3A_598 = arith.constant 0 : i32
      %dma_wait3A_599 = arith.constant 0 : i32
      %dma_wait3A_600 = tpu.memref_slice %arg3[%dma_wait3A_598, %dma_wait3A_599] : memref<1000000x64xf32, #tpu.memory_space<hbm>> -> memref<1000000x64xf32, #tpu.memory_space<hbm>>
      tpu.wait_indirect_dma semaphore(%arg12 : memref<!tpu.dma_semaphore, #tpu.memory_space<semaphore_mem>>) src(%dma_wait3A_600 : memref<1000000x64xf32, #tpu.memory_space<hbm>>) dst(%dma_wait3A_594 : memref<128x64xf32, #tpu.memory_space<vmem>>)
      %mul3A_601 = arith.constant 128 : i32
      %mul3A_602 = arith.muli %add3A_589, %mul3A_601 : i32
      %add3A_603 = arith.addi %mul3A_2, %mul3A_602 : i32
      %dma_start3A_604 = arith.constant 5 : i32
      %dma_start3A_605 = arith.constant 0 : i32
      %dma_start3A_606 = arith.constant 0 : i32
      %dma_start3A_607 = tpu.memref_slice %arg6[%dma_start3A_604, %dma_start3A_605, %dma_start3A_606] : memref<8x128x64xf32, #tpu.memory_space<vmem>> -> memref<1x128x64xf32, #tpu.memory_space<vmem>>
      %dma_start3A_608 = tpu.memref_squeeze %dma_start3A_607 : memref<1x128x64xf32, #tpu.memory_space<vmem>> -> memref<128x64xf32, #tpu.memory_space<vmem>>
      %dma_start3A_609 = arith.constant 0 : i32
      %dma_start3A_610 = tpu.memref_slice %arg4[%add3A_603, %dma_start3A_609] : memref<819200x64xf32, #tpu.memory_space<hbm>> -> memref<128x64xf32, #tpu.memory_space<hbm>>
      %dma_start3A_611 = arith.constant 0 : i32
      %dma_start3A_612 = tpu.memref_slice %arg4[%add3A_603, %dma_start3A_611] : memref<819200x64xf32, #tpu.memory_space<hbm>> -> memref<128x64xf32, #tpu.memory_space<hbm>>
      %dma_start3A_613 = arith.constant 0 : i32
      %dma_start3A_614 = arith.constant 0 : i32
      %dma_start3A_615 = tpu.memref_slice %arg6[%dma_start3A_604, %dma_start3A_613, %dma_start3A_614] : memref<8x128x64xf32, #tpu.memory_space<vmem>> -> memref<1x128x64xf32, #tpu.memory_space<vmem>>
      %dma_start3A_616 = tpu.memref_squeeze %dma_start3A_615 : memref<1x128x64xf32, #tpu.memory_space<vmem>> -> memref<128x64xf32, #tpu.memory_space<vmem>>
      tpu.enqueue_dma source(%dma_start3A_616 : memref<128x64xf32, #tpu.memory_space<vmem>>) target(%dma_start3A_612 : memref<128x64xf32, #tpu.memory_space<hbm>>) target_semaphore(%arg20 : memref<!tpu.dma_semaphore, #tpu.memory_space<semaphore_mem>>)
      %add3A_617 = arith.constant 6 : i32
      %add3A_618 = arith.addi %mul3A_442, %add3A_617 : i32
      %dma_wait3A_619 = arith.constant 6 : i32
      %dma_wait3A_620 = arith.constant 0 : i32
      %dma_wait3A_621 = arith.constant 0 : i32
      %dma_wait3A_622 = tpu.memref_slice %arg6[%dma_wait3A_619, %dma_wait3A_620, %dma_wait3A_621] : memref<8x128x64xf32, #tpu.memory_space<vmem>> -> memref<1x128x64xf32, #tpu.memory_space<vmem>>
      %dma_wait3A_623 = tpu.memref_squeeze %dma_wait3A_622 : memref<1x128x64xf32, #tpu.memory_space<vmem>> -> memref<128x64xf32, #tpu.memory_space<vmem>>
      %dma_wait3A_624 = arith.constant 0 : i32
      %dma_wait3A_625 = tpu.memref_slice %arg5[%add3A_618, %dma_wait3A_624] : memref<200x128xi32, #tpu.memory_space<vmem>> -> memref<1x128xi32, #tpu.memory_space<vmem>>
      %dma_wait3A_626 = tpu.memref_squeeze %dma_wait3A_625 : memref<1x128xi32, #tpu.memory_space<vmem>> -> memref<128xi32, #tpu.memory_space<vmem>>
      %dma_wait3A_627 = arith.constant 0 : i32
      %dma_wait3A_628 = arith.constant 0 : i32
      %dma_wait3A_629 = tpu.memref_slice %arg3[%dma_wait3A_627, %dma_wait3A_628] : memref<1000000x64xf32, #tpu.memory_space<hbm>> -> memref<1000000x64xf32, #tpu.memory_space<hbm>>
      tpu.wait_indirect_dma semaphore(%arg13 : memref<!tpu.dma_semaphore, #tpu.memory_space<semaphore_mem>>) src(%dma_wait3A_629 : memref<1000000x64xf32, #tpu.memory_space<hbm>>) dst(%dma_wait3A_623 : memref<128x64xf32, #tpu.memory_space<vmem>>)
      %mul3A_630 = arith.constant 128 : i32
      %mul3A_631 = arith.muli %add3A_618, %mul3A_630 : i32
      %add3A_632 = arith.addi %mul3A_2, %mul3A_631 : i32
      %dma_start3A_633 = arith.constant 6 : i32
      %dma_start3A_634 = arith.constant 0 : i32
      %dma_start3A_635 = arith.constant 0 : i32
      %dma_start3A_636 = tpu.memref_slice %arg6[%dma_start3A_633, %dma_start3A_634, %dma_start3A_635] : memref<8x128x64xf32, #tpu.memory_space<vmem>> -> memref<1x128x64xf32, #tpu.memory_space<vmem>>
      %dma_start3A_637 = tpu.memref_squeeze %dma_start3A_636 : memref<1x128x64xf32, #tpu.memory_space<vmem>> -> memref<128x64xf32, #tpu.memory_space<vmem>>
      %dma_start3A_638 = arith.constant 0 : i32
      %dma_start3A_639 = tpu.memref_slice %arg4[%add3A_632, %dma_start3A_638] : memref<819200x64xf32, #tpu.memory_space<hbm>> -> memref<128x64xf32, #tpu.memory_space<hbm>>
      %dma_start3A_640 = arith.constant 0 : i32
      %dma_start3A_641 = tpu.memref_slice %arg4[%add3A_632, %dma_start3A_640] : memref<819200x64xf32, #tpu.memory_space<hbm>> -> memref<128x64xf32, #tpu.memory_space<hbm>>
      %dma_start3A_642 = arith.constant 0 : i32
      %dma_start3A_643 = arith.constant 0 : i32
      %dma_start3A_644 = tpu.memref_slice %arg6[%dma_start3A_633, %dma_start3A_642, %dma_start3A_643] : memref<8x128x64xf32, #tpu.memory_space<vmem>> -> memref<1x128x64xf32, #tpu.memory_space<vmem>>
      %dma_start3A_645 = tpu.memref_squeeze %dma_start3A_644 : memref<1x128x64xf32, #tpu.memory_space<vmem>> -> memref<128x64xf32, #tpu.memory_space<vmem>>
      tpu.enqueue_dma source(%dma_start3A_645 : memref<128x64xf32, #tpu.memory_space<vmem>>) target(%dma_start3A_641 : memref<128x64xf32, #tpu.memory_space<hbm>>) target_semaphore(%arg21 : memref<!tpu.dma_semaphore, #tpu.memory_space<semaphore_mem>>)
      %add3A_646 = arith.constant 7 : i32
      %add3A_647 = arith.addi %mul3A_442, %add3A_646 : i32
      %dma_wait3A_648 = arith.constant 7 : i32
      %dma_wait3A_649 = arith.constant 0 : i32
      %dma_wait3A_650 = arith.constant 0 : i32
      %dma_wait3A_651 = tpu.memref_slice %arg6[%dma_wait3A_648, %dma_wait3A_649, %dma_wait3A_650] : memref<8x128x64xf32, #tpu.memory_space<vmem>> -> memref<1x128x64xf32, #tpu.memory_space<vmem>>
      %dma_wait3A_652 = tpu.memref_squeeze %dma_wait3A_651 : memref<1x128x64xf32, #tpu.memory_space<vmem>> -> memref<128x64xf32, #tpu.memory_space<vmem>>
      %dma_wait3A_653 = arith.constant 0 : i32
      %dma_wait3A_654 = tpu.memref_slice %arg5[%add3A_647, %dma_wait3A_653] : memref<200x128xi32, #tpu.memory_space<vmem>> -> memref<1x128xi32, #tpu.memory_space<vmem>>
      %dma_wait3A_655 = tpu.memref_squeeze %dma_wait3A_654 : memref<1x128xi32, #tpu.memory_space<vmem>> -> memref<128xi32, #tpu.memory_space<vmem>>
      %dma_wait3A_656 = arith.constant 0 : i32
      %dma_wait3A_657 = arith.constant 0 : i32
      %dma_wait3A_658 = tpu.memref_slice %arg3[%dma_wait3A_656, %dma_wait3A_657] : memref<1000000x64xf32, #tpu.memory_space<hbm>> -> memref<1000000x64xf32, #tpu.memory_space<hbm>>
      tpu.wait_indirect_dma semaphore(%arg14 : memref<!tpu.dma_semaphore, #tpu.memory_space<semaphore_mem>>) src(%dma_wait3A_658 : memref<1000000x64xf32, #tpu.memory_space<hbm>>) dst(%dma_wait3A_652 : memref<128x64xf32, #tpu.memory_space<vmem>>)
      %mul3A_659 = arith.constant 128 : i32
      %mul3A_660 = arith.muli %add3A_647, %mul3A_659 : i32
      %add3A_661 = arith.addi %mul3A_2, %mul3A_660 : i32
      %dma_start3A_662 = arith.constant 7 : i32
      %dma_start3A_663 = arith.constant 0 : i32
      %dma_start3A_664 = arith.constant 0 : i32
      %dma_start3A_665 = tpu.memref_slice %arg6[%dma_start3A_662, %dma_start3A_663, %dma_start3A_664] : memref<8x128x64xf32, #tpu.memory_space<vmem>> -> memref<1x128x64xf32, #tpu.memory_space<vmem>>
      %dma_start3A_666 = tpu.memref_squeeze %dma_start3A_665 : memref<1x128x64xf32, #tpu.memory_space<vmem>> -> memref<128x64xf32, #tpu.memory_space<vmem>>
      %dma_start3A_667 = arith.constant 0 : i32
      %dma_start3A_668 = tpu.memref_slice %arg4[%add3A_661, %dma_start3A_667] : memref<819200x64xf32, #tpu.memory_space<hbm>> -> memref<128x64xf32, #tpu.memory_space<hbm>>
      %dma_start3A_669 = arith.constant 0 : i32
      %dma_start3A_670 = tpu.memref_slice %arg4[%add3A_661, %dma_start3A_669] : memref<819200x64xf32, #tpu.memory_space<hbm>> -> memref<128x64xf32, #tpu.memory_space<hbm>>
      %dma_start3A_671 = arith.constant 0 : i32
      %dma_start3A_672 = arith.constant 0 : i32
      %dma_start3A_673 = tpu.memref_slice %arg6[%dma_start3A_662, %dma_start3A_671, %dma_start3A_672] : memref<8x128x64xf32, #tpu.memory_space<vmem>> -> memref<1x128x64xf32, #tpu.memory_space<vmem>>
      %dma_start3A_674 = tpu.memref_squeeze %dma_start3A_673 : memref<1x128x64xf32, #tpu.memory_space<vmem>> -> memref<128x64xf32, #tpu.memory_space<vmem>>
      tpu.enqueue_dma source(%dma_start3A_674 : memref<128x64xf32, #tpu.memory_space<vmem>>) target(%dma_start3A_670 : memref<128x64xf32, #tpu.memory_space<hbm>>) target_semaphore(%arg22 : memref<!tpu.dma_semaphore, #tpu.memory_space<semaphore_mem>>)
      %add3A_675 = arith.constant 0 : i32
      %add3A_676 = arith.addi %mul3A_442, %add3A_675 : i32
      %mul3A_677 = arith.constant 128 : i32
      %mul3A_678 = arith.muli %add3A_676, %mul3A_677 : i32
      %add3A_679 = arith.addi %mul3A_2, %mul3A_678 : i32
      %dma_wait3A_680 = arith.constant 0 : i32
      %dma_wait3A_681 = arith.constant 0 : i32
      %dma_wait3A_682 = arith.constant 0 : i32
      %dma_wait3A_683 = tpu.memref_slice %arg6[%dma_wait3A_680, %dma_wait3A_681, %dma_wait3A_682] : memref<8x128x64xf32, #tpu.memory_space<vmem>> -> memref<1x128x64xf32, #tpu.memory_space<vmem>>
      %dma_wait3A_684 = tpu.memref_squeeze %dma_wait3A_683 : memref<1x128x64xf32, #tpu.memory_space<vmem>> -> memref<128x64xf32, #tpu.memory_space<vmem>>
      %dma_wait3A_685 = arith.constant 0 : i32
      %dma_wait3A_686 = tpu.memref_slice %arg4[%add3A_679, %dma_wait3A_685] : memref<819200x64xf32, #tpu.memory_space<hbm>> -> memref<128x64xf32, #tpu.memory_space<hbm>>
      %dma_wait3A_687 = arith.constant 0 : i32
      %dma_wait3A_688 = tpu.memref_slice %arg4[%add3A_679, %dma_wait3A_687] : memref<819200x64xf32, #tpu.memory_space<hbm>> -> memref<128x64xf32, #tpu.memory_space<hbm>>
      %dma_wait3A_689 = arith.constant 0 : i32
      %dma_wait3A_690 = arith.constant 0 : i32
      %dma_wait3A_691 = tpu.memref_slice %arg6[%dma_wait3A_680, %dma_wait3A_689, %dma_wait3A_690] : memref<8x128x64xf32, #tpu.memory_space<vmem>> -> memref<1x128x64xf32, #tpu.memory_space<vmem>>
      %dma_wait3A_692 = tpu.memref_squeeze %dma_wait3A_691 : memref<1x128x64xf32, #tpu.memory_space<vmem>> -> memref<128x64xf32, #tpu.memory_space<vmem>>
      tpu.wait_dma2 semaphore(%arg15 : memref<!tpu.dma_semaphore, #tpu.memory_space<semaphore_mem>>) src(%dma_wait3A_692 : memref<128x64xf32, #tpu.memory_space<vmem>>) dst(%dma_wait3A_688 : memref<128x64xf32, #tpu.memory_space<hbm>>)
      %add3A_693 = arith.constant 8 : i32
      %add3A_694 = arith.addi %add3A_676, %add3A_693 : i32
      %dma_start3A_695 = arith.constant 0 : i32
      %dma_start3A_696 = arith.constant 0 : i32
      %dma_start3A_697 = arith.constant 0 : i32
      %dma_start3A_698 = tpu.memref_slice %arg6[%dma_start3A_695, %dma_start3A_696, %dma_start3A_697] : memref<8x128x64xf32, #tpu.memory_space<vmem>> -> memref<1x128x64xf32, #tpu.memory_space<vmem>>
      %dma_start3A_699 = tpu.memref_squeeze %dma_start3A_698 : memref<1x128x64xf32, #tpu.memory_space<vmem>> -> memref<128x64xf32, #tpu.memory_space<vmem>>
      %dma_start3A_700 = arith.constant 0 : i32
      %dma_start3A_701 = tpu.memref_slice %arg5[%add3A_694, %dma_start3A_700] : memref<200x128xi32, #tpu.memory_space<vmem>> -> memref<1x128xi32, #tpu.memory_space<vmem>>
      %dma_start3A_702 = tpu.memref_squeeze %dma_start3A_701 : memref<1x128xi32, #tpu.memory_space<vmem>> -> memref<128xi32, #tpu.memory_space<vmem>>
      %dma_start3A_703 = arith.constant 0 : i32
      %dma_start3A_704 = arith.constant 0 : i32
      %dma_start3A_705 = tpu.memref_slice %arg3[%dma_start3A_703, %dma_start3A_704] : memref<1000000x64xf32, #tpu.memory_space<hbm>> -> memref<1000000x64xf32, #tpu.memory_space<hbm>>
      tpu.enqueue_indirect_dma source(%dma_start3A_705 : memref<1000000x64xf32, #tpu.memory_space<hbm>>) target(%dma_start3A_699 : memref<128x64xf32, #tpu.memory_space<vmem>>) offsets(%dma_start3A_702 : memref<128xi32, #tpu.memory_space<vmem>>) semaphore(%arg7 : memref<!tpu.dma_semaphore, #tpu.memory_space<semaphore_mem>>)
      %add3A_706 = arith.constant 1 : i32
      %add3A_707 = arith.addi %mul3A_442, %add3A_706 : i32
      %mul3A_708 = arith.constant 128 : i32
      %mul3A_709 = arith.muli %add3A_707, %mul3A_708 : i32
      %add3A_710 = arith.addi %mul3A_2, %mul3A_709 : i32
      %dma_wait3A_711 = arith.constant 1 : i32
      %dma_wait3A_712 = arith.constant 0 : i32
      %dma_wait3A_713 = arith.constant 0 : i32
      %dma_wait3A_714 = tpu.memref_slice %arg6[%dma_wait3A_711, %dma_wait3A_712, %dma_wait3A_713] : memref<8x128x64xf32, #tpu.memory_space<vmem>> -> memref<1x128x64xf32, #tpu.memory_space<vmem>>
      %dma_wait3A_715 = tpu.memref_squeeze %dma_wait3A_714 : memref<1x128x64xf32, #tpu.memory_space<vmem>> -> memref<128x64xf32, #tpu.memory_space<vmem>>
      %dma_wait3A_716 = arith.constant 0 : i32
      %dma_wait3A_717 = tpu.memref_slice %arg4[%add3A_710, %dma_wait3A_716] : memref<819200x64xf32, #tpu.memory_space<hbm>> -> memref<128x64xf32, #tpu.memory_space<hbm>>
      %dma_wait3A_718 = arith.constant 0 : i32
      %dma_wait3A_719 = tpu.memref_slice %arg4[%add3A_710, %dma_wait3A_718] : memref<819200x64xf32, #tpu.memory_space<hbm>> -> memref<128x64xf32, #tpu.memory_space<hbm>>
      %dma_wait3A_720 = arith.constant 0 : i32
      %dma_wait3A_721 = arith.constant 0 : i32
      %dma_wait3A_722 = tpu.memref_slice %arg6[%dma_wait3A_711, %dma_wait3A_720, %dma_wait3A_721] : memref<8x128x64xf32, #tpu.memory_space<vmem>> -> memref<1x128x64xf32, #tpu.memory_space<vmem>>
      %dma_wait3A_723 = tpu.memref_squeeze %dma_wait3A_722 : memref<1x128x64xf32, #tpu.memory_space<vmem>> -> memref<128x64xf32, #tpu.memory_space<vmem>>
      tpu.wait_dma2 semaphore(%arg16 : memref<!tpu.dma_semaphore, #tpu.memory_space<semaphore_mem>>) src(%dma_wait3A_723 : memref<128x64xf32, #tpu.memory_space<vmem>>) dst(%dma_wait3A_719 : memref<128x64xf32, #tpu.memory_space<hbm>>)
      %add3A_724 = arith.constant 8 : i32
      %add3A_725 = arith.addi %add3A_707, %add3A_724 : i32
      %dma_start3A_726 = arith.constant 1 : i32
      %dma_start3A_727 = arith.constant 0 : i32
      %dma_start3A_728 = arith.constant 0 : i32
      %dma_start3A_729 = tpu.memref_slice %arg6[%dma_start3A_726, %dma_start3A_727, %dma_start3A_728] : memref<8x128x64xf32, #tpu.memory_space<vmem>> -> memref<1x128x64xf32, #tpu.memory_space<vmem>>
      %dma_start3A_730 = tpu.memref_squeeze %dma_start3A_729 : memref<1x128x64xf32, #tpu.memory_space<vmem>> -> memref<128x64xf32, #tpu.memory_space<vmem>>
      %dma_start3A_731 = arith.constant 0 : i32
      %dma_start3A_732 = tpu.memref_slice %arg5[%add3A_725, %dma_start3A_731] : memref<200x128xi32, #tpu.memory_space<vmem>> -> memref<1x128xi32, #tpu.memory_space<vmem>>
      %dma_start3A_733 = tpu.memref_squeeze %dma_start3A_732 : memref<1x128xi32, #tpu.memory_space<vmem>> -> memref<128xi32, #tpu.memory_space<vmem>>
      %dma_start3A_734 = arith.constant 0 : i32
      %dma_start3A_735 = arith.constant 0 : i32
      %dma_start3A_736 = tpu.memref_slice %arg3[%dma_start3A_734, %dma_start3A_735] : memref<1000000x64xf32, #tpu.memory_space<hbm>> -> memref<1000000x64xf32, #tpu.memory_space<hbm>>
      tpu.enqueue_indirect_dma source(%dma_start3A_736 : memref<1000000x64xf32, #tpu.memory_space<hbm>>) target(%dma_start3A_730 : memref<128x64xf32, #tpu.memory_space<vmem>>) offsets(%dma_start3A_733 : memref<128xi32, #tpu.memory_space<vmem>>) semaphore(%arg8 : memref<!tpu.dma_semaphore, #tpu.memory_space<semaphore_mem>>)
      %add3A_737 = arith.constant 2 : i32
      %add3A_738 = arith.addi %mul3A_442, %add3A_737 : i32
      %mul3A_739 = arith.constant 128 : i32
      %mul3A_740 = arith.muli %add3A_738, %mul3A_739 : i32
      %add3A_741 = arith.addi %mul3A_2, %mul3A_740 : i32
      %dma_wait3A_742 = arith.constant 2 : i32
      %dma_wait3A_743 = arith.constant 0 : i32
      %dma_wait3A_744 = arith.constant 0 : i32
      %dma_wait3A_745 = tpu.memref_slice %arg6[%dma_wait3A_742, %dma_wait3A_743, %dma_wait3A_744] : memref<8x128x64xf32, #tpu.memory_space<vmem>> -> memref<1x128x64xf32, #tpu.memory_space<vmem>>
      %dma_wait3A_746 = tpu.memref_squeeze %dma_wait3A_745 : memref<1x128x64xf32, #tpu.memory_space<vmem>> -> memref<128x64xf32, #tpu.memory_space<vmem>>
      %dma_wait3A_747 = arith.constant 0 : i32
      %dma_wait3A_748 = tpu.memref_slice %arg4[%add3A_741, %dma_wait3A_747] : memref<819200x64xf32, #tpu.memory_space<hbm>> -> memref<128x64xf32, #tpu.memory_space<hbm>>
      %dma_wait3A_749 = arith.constant 0 : i32
      %dma_wait3A_750 = tpu.memref_slice %arg4[%add3A_741, %dma_wait3A_749] : memref<819200x64xf32, #tpu.memory_space<hbm>> -> memref<128x64xf32, #tpu.memory_space<hbm>>
      %dma_wait3A_751 = arith.constant 0 : i32
      %dma_wait3A_752 = arith.constant 0 : i32
      %dma_wait3A_753 = tpu.memref_slice %arg6[%dma_wait3A_742, %dma_wait3A_751, %dma_wait3A_752] : memref<8x128x64xf32, #tpu.memory_space<vmem>> -> memref<1x128x64xf32, #tpu.memory_space<vmem>>
      %dma_wait3A_754 = tpu.memref_squeeze %dma_wait3A_753 : memref<1x128x64xf32, #tpu.memory_space<vmem>> -> memref<128x64xf32, #tpu.memory_space<vmem>>
      tpu.wait_dma2 semaphore(%arg17 : memref<!tpu.dma_semaphore, #tpu.memory_space<semaphore_mem>>) src(%dma_wait3A_754 : memref<128x64xf32, #tpu.memory_space<vmem>>) dst(%dma_wait3A_750 : memref<128x64xf32, #tpu.memory_space<hbm>>)
      %add3A_755 = arith.constant 8 : i32
      %add3A_756 = arith.addi %add3A_738, %add3A_755 : i32
      %dma_start3A_757 = arith.constant 2 : i32
      %dma_start3A_758 = arith.constant 0 : i32
      %dma_start3A_759 = arith.constant 0 : i32
      %dma_start3A_760 = tpu.memref_slice %arg6[%dma_start3A_757, %dma_start3A_758, %dma_start3A_759] : memref<8x128x64xf32, #tpu.memory_space<vmem>> -> memref<1x128x64xf32, #tpu.memory_space<vmem>>
      %dma_start3A_761 = tpu.memref_squeeze %dma_start3A_760 : memref<1x128x64xf32, #tpu.memory_space<vmem>> -> memref<128x64xf32, #tpu.memory_space<vmem>>
      %dma_start3A_762 = arith.constant 0 : i32
      %dma_start3A_763 = tpu.memref_slice %arg5[%add3A_756, %dma_start3A_762] : memref<200x128xi32, #tpu.memory_space<vmem>> -> memref<1x128xi32, #tpu.memory_space<vmem>>
      %dma_start3A_764 = tpu.memref_squeeze %dma_start3A_763 : memref<1x128xi32, #tpu.memory_space<vmem>> -> memref<128xi32, #tpu.memory_space<vmem>>
      %dma_start3A_765 = arith.constant 0 : i32
      %dma_start3A_766 = arith.constant 0 : i32
      %dma_start3A_767 = tpu.memref_slice %arg3[%dma_start3A_765, %dma_start3A_766] : memref<1000000x64xf32, #tpu.memory_space<hbm>> -> memref<1000000x64xf32, #tpu.memory_space<hbm>>
      tpu.enqueue_indirect_dma source(%dma_start3A_767 : memref<1000000x64xf32, #tpu.memory_space<hbm>>) target(%dma_start3A_761 : memref<128x64xf32, #tpu.memory_space<vmem>>) offsets(%dma_start3A_764 : memref<128xi32, #tpu.memory_space<vmem>>) semaphore(%arg9 : memref<!tpu.dma_semaphore, #tpu.memory_space<semaphore_mem>>)
      %add3A_768 = arith.constant 3 : i32
      %add3A_769 = arith.addi %mul3A_442, %add3A_768 : i32
      %mul3A_770 = arith.constant 128 : i32
      %mul3A_771 = arith.muli %add3A_769, %mul3A_770 : i32
      %add3A_772 = arith.addi %mul3A_2, %mul3A_771 : i32
      %dma_wait3A_773 = arith.constant 3 : i32
      %dma_wait3A_774 = arith.constant 0 : i32
      %dma_wait3A_775 = arith.constant 0 : i32
      %dma_wait3A_776 = tpu.memref_slice %arg6[%dma_wait3A_773, %dma_wait3A_774, %dma_wait3A_775] : memref<8x128x64xf32, #tpu.memory_space<vmem>> -> memref<1x128x64xf32, #tpu.memory_space<vmem>>
      %dma_wait3A_777 = tpu.memref_squeeze %dma_wait3A_776 : memref<1x128x64xf32, #tpu.memory_space<vmem>> -> memref<128x64xf32, #tpu.memory_space<vmem>>
      %dma_wait3A_778 = arith.constant 0 : i32
      %dma_wait3A_779 = tpu.memref_slice %arg4[%add3A_772, %dma_wait3A_778] : memref<819200x64xf32, #tpu.memory_space<hbm>> -> memref<128x64xf32, #tpu.memory_space<hbm>>
      %dma_wait3A_780 = arith.constant 0 : i32
      %dma_wait3A_781 = tpu.memref_slice %arg4[%add3A_772, %dma_wait3A_780] : memref<819200x64xf32, #tpu.memory_space<hbm>> -> memref<128x64xf32, #tpu.memory_space<hbm>>
      %dma_wait3A_782 = arith.constant 0 : i32
      %dma_wait3A_783 = arith.constant 0 : i32
      %dma_wait3A_784 = tpu.memref_slice %arg6[%dma_wait3A_773, %dma_wait3A_782, %dma_wait3A_783] : memref<8x128x64xf32, #tpu.memory_space<vmem>> -> memref<1x128x64xf32, #tpu.memory_space<vmem>>
      %dma_wait3A_785 = tpu.memref_squeeze %dma_wait3A_784 : memref<1x128x64xf32, #tpu.memory_space<vmem>> -> memref<128x64xf32, #tpu.memory_space<vmem>>
      tpu.wait_dma2 semaphore(%arg18 : memref<!tpu.dma_semaphore, #tpu.memory_space<semaphore_mem>>) src(%dma_wait3A_785 : memref<128x64xf32, #tpu.memory_space<vmem>>) dst(%dma_wait3A_781 : memref<128x64xf32, #tpu.memory_space<hbm>>)
      %add3A_786 = arith.constant 8 : i32
      %add3A_787 = arith.addi %add3A_769, %add3A_786 : i32
      %dma_start3A_788 = arith.constant 3 : i32
      %dma_start3A_789 = arith.constant 0 : i32
      %dma_start3A_790 = arith.constant 0 : i32
      %dma_start3A_791 = tpu.memref_slice %arg6[%dma_start3A_788, %dma_start3A_789, %dma_start3A_790] : memref<8x128x64xf32, #tpu.memory_space<vmem>> -> memref<1x128x64xf32, #tpu.memory_space<vmem>>
      %dma_start3A_792 = tpu.memref_squeeze %dma_start3A_791 : memref<1x128x64xf32, #tpu.memory_space<vmem>> -> memref<128x64xf32, #tpu.memory_space<vmem>>
      %dma_start3A_793 = arith.constant 0 : i32
      %dma_start3A_794 = tpu.memref_slice %arg5[%add3A_787, %dma_start3A_793] : memref<200x128xi32, #tpu.memory_space<vmem>> -> memref<1x128xi32, #tpu.memory_space<vmem>>
      %dma_start3A_795 = tpu.memref_squeeze %dma_start3A_794 : memref<1x128xi32, #tpu.memory_space<vmem>> -> memref<128xi32, #tpu.memory_space<vmem>>
      %dma_start3A_796 = arith.constant 0 : i32
      %dma_start3A_797 = arith.constant 0 : i32
      %dma_start3A_798 = tpu.memref_slice %arg3[%dma_start3A_796, %dma_start3A_797] : memref<1000000x64xf32, #tpu.memory_space<hbm>> -> memref<1000000x64xf32, #tpu.memory_space<hbm>>
      tpu.enqueue_indirect_dma source(%dma_start3A_798 : memref<1000000x64xf32, #tpu.memory_space<hbm>>) target(%dma_start3A_792 : memref<128x64xf32, #tpu.memory_space<vmem>>) offsets(%dma_start3A_795 : memref<128xi32, #tpu.memory_space<vmem>>) semaphore(%arg10 : memref<!tpu.dma_semaphore, #tpu.memory_space<semaphore_mem>>)
      %add3A_799 = arith.constant 4 : i32
      %add3A_800 = arith.addi %mul3A_442, %add3A_799 : i32
      %mul3A_801 = arith.constant 128 : i32
      %mul3A_802 = arith.muli %add3A_800, %mul3A_801 : i32
      %add3A_803 = arith.addi %mul3A_2, %mul3A_802 : i32
      %dma_wait3A_804 = arith.constant 4 : i32
      %dma_wait3A_805 = arith.constant 0 : i32
      %dma_wait3A_806 = arith.constant 0 : i32
      %dma_wait3A_807 = tpu.memref_slice %arg6[%dma_wait3A_804, %dma_wait3A_805, %dma_wait3A_806] : memref<8x128x64xf32, #tpu.memory_space<vmem>> -> memref<1x128x64xf32, #tpu.memory_space<vmem>>
      %dma_wait3A_808 = tpu.memref_squeeze %dma_wait3A_807 : memref<1x128x64xf32, #tpu.memory_space<vmem>> -> memref<128x64xf32, #tpu.memory_space<vmem>>
      %dma_wait3A_809 = arith.constant 0 : i32
      %dma_wait3A_810 = tpu.memref_slice %arg4[%add3A_803, %dma_wait3A_809] : memref<819200x64xf32, #tpu.memory_space<hbm>> -> memref<128x64xf32, #tpu.memory_space<hbm>>
      %dma_wait3A_811 = arith.constant 0 : i32
      %dma_wait3A_812 = tpu.memref_slice %arg4[%add3A_803, %dma_wait3A_811] : memref<819200x64xf32, #tpu.memory_space<hbm>> -> memref<128x64xf32, #tpu.memory_space<hbm>>
      %dma_wait3A_813 = arith.constant 0 : i32
      %dma_wait3A_814 = arith.constant 0 : i32
      %dma_wait3A_815 = tpu.memref_slice %arg6[%dma_wait3A_804, %dma_wait3A_813, %dma_wait3A_814] : memref<8x128x64xf32, #tpu.memory_space<vmem>> -> memref<1x128x64xf32, #tpu.memory_space<vmem>>
      %dma_wait3A_816 = tpu.memref_squeeze %dma_wait3A_815 : memref<1x128x64xf32, #tpu.memory_space<vmem>> -> memref<128x64xf32, #tpu.memory_space<vmem>>
      tpu.wait_dma2 semaphore(%arg19 : memref<!tpu.dma_semaphore, #tpu.memory_space<semaphore_mem>>) src(%dma_wait3A_816 : memref<128x64xf32, #tpu.memory_space<vmem>>) dst(%dma_wait3A_812 : memref<128x64xf32, #tpu.memory_space<hbm>>)
      %add3A_817 = arith.constant 8 : i32
      %add3A_818 = arith.addi %add3A_800, %add3A_817 : i32
      %dma_start3A_819 = arith.constant 4 : i32
      %dma_start3A_820 = arith.constant 0 : i32
      %dma_start3A_821 = arith.constant 0 : i32
      %dma_start3A_822 = tpu.memref_slice %arg6[%dma_start3A_819, %dma_start3A_820, %dma_start3A_821] : memref<8x128x64xf32, #tpu.memory_space<vmem>> -> memref<1x128x64xf32, #tpu.memory_space<vmem>>
      %dma_start3A_823 = tpu.memref_squeeze %dma_start3A_822 : memref<1x128x64xf32, #tpu.memory_space<vmem>> -> memref<128x64xf32, #tpu.memory_space<vmem>>
      %dma_start3A_824 = arith.constant 0 : i32
      %dma_start3A_825 = tpu.memref_slice %arg5[%add3A_818, %dma_start3A_824] : memref<200x128xi32, #tpu.memory_space<vmem>> -> memref<1x128xi32, #tpu.memory_space<vmem>>
      %dma_start3A_826 = tpu.memref_squeeze %dma_start3A_825 : memref<1x128xi32, #tpu.memory_space<vmem>> -> memref<128xi32, #tpu.memory_space<vmem>>
      %dma_start3A_827 = arith.constant 0 : i32
      %dma_start3A_828 = arith.constant 0 : i32
      %dma_start3A_829 = tpu.memref_slice %arg3[%dma_start3A_827, %dma_start3A_828] : memref<1000000x64xf32, #tpu.memory_space<hbm>> -> memref<1000000x64xf32, #tpu.memory_space<hbm>>
      tpu.enqueue_indirect_dma source(%dma_start3A_829 : memref<1000000x64xf32, #tpu.memory_space<hbm>>) target(%dma_start3A_823 : memref<128x64xf32, #tpu.memory_space<vmem>>) offsets(%dma_start3A_826 : memref<128xi32, #tpu.memory_space<vmem>>) semaphore(%arg11 : memref<!tpu.dma_semaphore, #tpu.memory_space<semaphore_mem>>)
      %add3A_830 = arith.constant 5 : i32
      %add3A_831 = arith.addi %mul3A_442, %add3A_830 : i32
      %mul3A_832 = arith.constant 128 : i32
      %mul3A_833 = arith.muli %add3A_831, %mul3A_832 : i32
      %add3A_834 = arith.addi %mul3A_2, %mul3A_833 : i32
      %dma_wait3A_835 = arith.constant 5 : i32
      %dma_wait3A_836 = arith.constant 0 : i32
      %dma_wait3A_837 = arith.constant 0 : i32
      %dma_wait3A_838 = tpu.memref_slice %arg6[%dma_wait3A_835, %dma_wait3A_836, %dma_wait3A_837] : memref<8x128x64xf32, #tpu.memory_space<vmem>> -> memref<1x128x64xf32, #tpu.memory_space<vmem>>
      %dma_wait3A_839 = tpu.memref_squeeze %dma_wait3A_838 : memref<1x128x64xf32, #tpu.memory_space<vmem>> -> memref<128x64xf32, #tpu.memory_space<vmem>>
      %dma_wait3A_840 = arith.constant 0 : i32
      %dma_wait3A_841 = tpu.memref_slice %arg4[%add3A_834, %dma_wait3A_840] : memref<819200x64xf32, #tpu.memory_space<hbm>> -> memref<128x64xf32, #tpu.memory_space<hbm>>
      %dma_wait3A_842 = arith.constant 0 : i32
      %dma_wait3A_843 = tpu.memref_slice %arg4[%add3A_834, %dma_wait3A_842] : memref<819200x64xf32, #tpu.memory_space<hbm>> -> memref<128x64xf32, #tpu.memory_space<hbm>>
      %dma_wait3A_844 = arith.constant 0 : i32
      %dma_wait3A_845 = arith.constant 0 : i32
      %dma_wait3A_846 = tpu.memref_slice %arg6[%dma_wait3A_835, %dma_wait3A_844, %dma_wait3A_845] : memref<8x128x64xf32, #tpu.memory_space<vmem>> -> memref<1x128x64xf32, #tpu.memory_space<vmem>>
      %dma_wait3A_847 = tpu.memref_squeeze %dma_wait3A_846 : memref<1x128x64xf32, #tpu.memory_space<vmem>> -> memref<128x64xf32, #tpu.memory_space<vmem>>
      tpu.wait_dma2 semaphore(%arg20 : memref<!tpu.dma_semaphore, #tpu.memory_space<semaphore_mem>>) src(%dma_wait3A_847 : memref<128x64xf32, #tpu.memory_space<vmem>>) dst(%dma_wait3A_843 : memref<128x64xf32, #tpu.memory_space<hbm>>)
      %add3A_848 = arith.constant 8 : i32
      %add3A_849 = arith.addi %add3A_831, %add3A_848 : i32
      %dma_start3A_850 = arith.constant 5 : i32
      %dma_start3A_851 = arith.constant 0 : i32
      %dma_start3A_852 = arith.constant 0 : i32
      %dma_start3A_853 = tpu.memref_slice %arg6[%dma_start3A_850, %dma_start3A_851, %dma_start3A_852] : memref<8x128x64xf32, #tpu.memory_space<vmem>> -> memref<1x128x64xf32, #tpu.memory_space<vmem>>
      %dma_start3A_854 = tpu.memref_squeeze %dma_start3A_853 : memref<1x128x64xf32, #tpu.memory_space<vmem>> -> memref<128x64xf32, #tpu.memory_space<vmem>>
      %dma_start3A_855 = arith.constant 0 : i32
      %dma_start3A_856 = tpu.memref_slice %arg5[%add3A_849, %dma_start3A_855] : memref<200x128xi32, #tpu.memory_space<vmem>> -> memref<1x128xi32, #tpu.memory_space<vmem>>
      %dma_start3A_857 = tpu.memref_squeeze %dma_start3A_856 : memref<1x128xi32, #tpu.memory_space<vmem>> -> memref<128xi32, #tpu.memory_space<vmem>>
      %dma_start3A_858 = arith.constant 0 : i32
      %dma_start3A_859 = arith.constant 0 : i32
      %dma_start3A_860 = tpu.memref_slice %arg3[%dma_start3A_858, %dma_start3A_859] : memref<1000000x64xf32, #tpu.memory_space<hbm>> -> memref<1000000x64xf32, #tpu.memory_space<hbm>>
      tpu.enqueue_indirect_dma source(%dma_start3A_860 : memref<1000000x64xf32, #tpu.memory_space<hbm>>) target(%dma_start3A_854 : memref<128x64xf32, #tpu.memory_space<vmem>>) offsets(%dma_start3A_857 : memref<128xi32, #tpu.memory_space<vmem>>) semaphore(%arg12 : memref<!tpu.dma_semaphore, #tpu.memory_space<semaphore_mem>>)
      %add3A_861 = arith.constant 6 : i32
      %add3A_862 = arith.addi %mul3A_442, %add3A_861 : i32
      %mul3A_863 = arith.constant 128 : i32
      %mul3A_864 = arith.muli %add3A_862, %mul3A_863 : i32
      %add3A_865 = arith.addi %mul3A_2, %mul3A_864 : i32
      %dma_wait3A_866 = arith.constant 6 : i32
      %dma_wait3A_867 = arith.constant 0 : i32
      %dma_wait3A_868 = arith.constant 0 : i32
      %dma_wait3A_869 = tpu.memref_slice %arg6[%dma_wait3A_866, %dma_wait3A_867, %dma_wait3A_868] : memref<8x128x64xf32, #tpu.memory_space<vmem>> -> memref<1x128x64xf32, #tpu.memory_space<vmem>>
      %dma_wait3A_870 = tpu.memref_squeeze %dma_wait3A_869 : memref<1x128x64xf32, #tpu.memory_space<vmem>> -> memref<128x64xf32, #tpu.memory_space<vmem>>
      %dma_wait3A_871 = arith.constant 0 : i32
      %dma_wait3A_872 = tpu.memref_slice %arg4[%add3A_865, %dma_wait3A_871] : memref<819200x64xf32, #tpu.memory_space<hbm>> -> memref<128x64xf32, #tpu.memory_space<hbm>>
      %dma_wait3A_873 = arith.constant 0 : i32
      %dma_wait3A_874 = tpu.memref_slice %arg4[%add3A_865, %dma_wait3A_873] : memref<819200x64xf32, #tpu.memory_space<hbm>> -> memref<128x64xf32, #tpu.memory_space<hbm>>
      %dma_wait3A_875 = arith.constant 0 : i32
      %dma_wait3A_876 = arith.constant 0 : i32
      %dma_wait3A_877 = tpu.memref_slice %arg6[%dma_wait3A_866, %dma_wait3A_875, %dma_wait3A_876] : memref<8x128x64xf32, #tpu.memory_space<vmem>> -> memref<1x128x64xf32, #tpu.memory_space<vmem>>
      %dma_wait3A_878 = tpu.memref_squeeze %dma_wait3A_877 : memref<1x128x64xf32, #tpu.memory_space<vmem>> -> memref<128x64xf32, #tpu.memory_space<vmem>>
      tpu.wait_dma2 semaphore(%arg21 : memref<!tpu.dma_semaphore, #tpu.memory_space<semaphore_mem>>) src(%dma_wait3A_878 : memref<128x64xf32, #tpu.memory_space<vmem>>) dst(%dma_wait3A_874 : memref<128x64xf32, #tpu.memory_space<hbm>>)
      %add3A_879 = arith.constant 8 : i32
      %add3A_880 = arith.addi %add3A_862, %add3A_879 : i32
      %dma_start3A_881 = arith.constant 6 : i32
      %dma_start3A_882 = arith.constant 0 : i32
      %dma_start3A_883 = arith.constant 0 : i32
      %dma_start3A_884 = tpu.memref_slice %arg6[%dma_start3A_881, %dma_start3A_882, %dma_start3A_883] : memref<8x128x64xf32, #tpu.memory_space<vmem>> -> memref<1x128x64xf32, #tpu.memory_space<vmem>>
      %dma_start3A_885 = tpu.memref_squeeze %dma_start3A_884 : memref<1x128x64xf32, #tpu.memory_space<vmem>> -> memref<128x64xf32, #tpu.memory_space<vmem>>
      %dma_start3A_886 = arith.constant 0 : i32
      %dma_start3A_887 = tpu.memref_slice %arg5[%add3A_880, %dma_start3A_886] : memref<200x128xi32, #tpu.memory_space<vmem>> -> memref<1x128xi32, #tpu.memory_space<vmem>>
      %dma_start3A_888 = tpu.memref_squeeze %dma_start3A_887 : memref<1x128xi32, #tpu.memory_space<vmem>> -> memref<128xi32, #tpu.memory_space<vmem>>
      %dma_start3A_889 = arith.constant 0 : i32
      %dma_start3A_890 = arith.constant 0 : i32
      %dma_start3A_891 = tpu.memref_slice %arg3[%dma_start3A_889, %dma_start3A_890] : memref<1000000x64xf32, #tpu.memory_space<hbm>> -> memref<1000000x64xf32, #tpu.memory_space<hbm>>
      tpu.enqueue_indirect_dma source(%dma_start3A_891 : memref<1000000x64xf32, #tpu.memory_space<hbm>>) target(%dma_start3A_885 : memref<128x64xf32, #tpu.memory_space<vmem>>) offsets(%dma_start3A_888 : memref<128xi32, #tpu.memory_space<vmem>>) semaphore(%arg13 : memref<!tpu.dma_semaphore, #tpu.memory_space<semaphore_mem>>)
      %add3A_892 = arith.constant 7 : i32
      %add3A_893 = arith.addi %mul3A_442, %add3A_892 : i32
      %mul3A_894 = arith.constant 128 : i32
      %mul3A_895 = arith.muli %add3A_893, %mul3A_894 : i32
      %add3A_896 = arith.addi %mul3A_2, %mul3A_895 : i32
      %dma_wait3A_897 = arith.constant 7 : i32
      %dma_wait3A_898 = arith.constant 0 : i32
      %dma_wait3A_899 = arith.constant 0 : i32
      %dma_wait3A_900 = tpu.memref_slice %arg6[%dma_wait3A_897, %dma_wait3A_898, %dma_wait3A_899] : memref<8x128x64xf32, #tpu.memory_space<vmem>> -> memref<1x128x64xf32, #tpu.memory_space<vmem>>
      %dma_wait3A_901 = tpu.memref_squeeze %dma_wait3A_900 : memref<1x128x64xf32, #tpu.memory_space<vmem>> -> memref<128x64xf32, #tpu.memory_space<vmem>>
      %dma_wait3A_902 = arith.constant 0 : i32
      %dma_wait3A_903 = tpu.memref_slice %arg4[%add3A_896, %dma_wait3A_902] : memref<819200x64xf32, #tpu.memory_space<hbm>> -> memref<128x64xf32, #tpu.memory_space<hbm>>
      %dma_wait3A_904 = arith.constant 0 : i32
      %dma_wait3A_905 = tpu.memref_slice %arg4[%add3A_896, %dma_wait3A_904] : memref<819200x64xf32, #tpu.memory_space<hbm>> -> memref<128x64xf32, #tpu.memory_space<hbm>>
      %dma_wait3A_906 = arith.constant 0 : i32
      %dma_wait3A_907 = arith.constant 0 : i32
      %dma_wait3A_908 = tpu.memref_slice %arg6[%dma_wait3A_897, %dma_wait3A_906, %dma_wait3A_907] : memref<8x128x64xf32, #tpu.memory_space<vmem>> -> memref<1x128x64xf32, #tpu.memory_space<vmem>>
      %dma_wait3A_909 = tpu.memref_squeeze %dma_wait3A_908 : memref<1x128x64xf32, #tpu.memory_space<vmem>> -> memref<128x64xf32, #tpu.memory_space<vmem>>
      tpu.wait_dma2 semaphore(%arg22 : memref<!tpu.dma_semaphore, #tpu.memory_space<semaphore_mem>>) src(%dma_wait3A_909 : memref<128x64xf32, #tpu.memory_space<vmem>>) dst(%dma_wait3A_905 : memref<128x64xf32, #tpu.memory_space<hbm>>)
      %add3A_910 = arith.constant 8 : i32
      %add3A_911 = arith.addi %add3A_893, %add3A_910 : i32
      %dma_start3A_912 = arith.constant 7 : i32
      %dma_start3A_913 = arith.constant 0 : i32
      %dma_start3A_914 = arith.constant 0 : i32
      %dma_start3A_915 = tpu.memref_slice %arg6[%dma_start3A_912, %dma_start3A_913, %dma_start3A_914] : memref<8x128x64xf32, #tpu.memory_space<vmem>> -> memref<1x128x64xf32, #tpu.memory_space<vmem>>
      %dma_start3A_916 = tpu.memref_squeeze %dma_start3A_915 : memref<1x128x64xf32, #tpu.memory_space<vmem>> -> memref<128x64xf32, #tpu.memory_space<vmem>>
      %dma_start3A_917 = arith.constant 0 : i32
      %dma_start3A_918 = tpu.memref_slice %arg5[%add3A_911, %dma_start3A_917] : memref<200x128xi32, #tpu.memory_space<vmem>> -> memref<1x128xi32, #tpu.memory_space<vmem>>
      %dma_start3A_919 = tpu.memref_squeeze %dma_start3A_918 : memref<1x128xi32, #tpu.memory_space<vmem>> -> memref<128xi32, #tpu.memory_space<vmem>>
      %dma_start3A_920 = arith.constant 0 : i32
      %dma_start3A_921 = arith.constant 0 : i32
      %dma_start3A_922 = tpu.memref_slice %arg3[%dma_start3A_920, %dma_start3A_921] : memref<1000000x64xf32, #tpu.memory_space<hbm>> -> memref<1000000x64xf32, #tpu.memory_space<hbm>>
      tpu.enqueue_indirect_dma source(%dma_start3A_922 : memref<1000000x64xf32, #tpu.memory_space<hbm>>) target(%dma_start3A_916 : memref<128x64xf32, #tpu.memory_space<vmem>>) offsets(%dma_start3A_919 : memref<128xi32, #tpu.memory_space<vmem>>) semaphore(%arg14 : memref<!tpu.dma_semaphore, #tpu.memory_space<semaphore_mem>>)
    }
    %scan3A_104 = arith.constant 24 : i32
    %dma_wait3A = arith.constant 192 : i32
    %dma_wait3A_105 = arith.constant 0 : i32
    %dma_wait3A_106 = arith.constant 0 : i32
    %dma_wait3A_107 = arith.constant 0 : i32
    %dma_wait3A_108 = tpu.memref_slice %arg6[%dma_wait3A_105, %dma_wait3A_106, %dma_wait3A_107] : memref<8x128x64xf32, #tpu.memory_space<vmem>> -> memref<1x128x64xf32, #tpu.memory_space<vmem>>
    %dma_wait3A_109 = tpu.memref_squeeze %dma_wait3A_108 : memref<1x128x64xf32, #tpu.memory_space<vmem>> -> memref<128x64xf32, #tpu.memory_space<vmem>>
    %dma_wait3A_110 = arith.constant 0 : i32
    %dma_wait3A_111 = tpu.memref_slice %arg5[%dma_wait3A, %dma_wait3A_110] : memref<200x128xi32, #tpu.memory_space<vmem>> -> memref<1x128xi32, #tpu.memory_space<vmem>>
    %dma_wait3A_112 = tpu.memref_squeeze %dma_wait3A_111 : memref<1x128xi32, #tpu.memory_space<vmem>> -> memref<128xi32, #tpu.memory_space<vmem>>
    %dma_wait3A_113 = arith.constant 0 : i32
    %dma_wait3A_114 = arith.constant 0 : i32
    %dma_wait3A_115 = tpu.memref_slice %arg3[%dma_wait3A_113, %dma_wait3A_114] : memref<1000000x64xf32, #tpu.memory_space<hbm>> -> memref<1000000x64xf32, #tpu.memory_space<hbm>>
    tpu.wait_indirect_dma semaphore(%arg7 : memref<!tpu.dma_semaphore, #tpu.memory_space<semaphore_mem>>) src(%dma_wait3A_115 : memref<1000000x64xf32, #tpu.memory_space<hbm>>) dst(%dma_wait3A_109 : memref<128x64xf32, #tpu.memory_space<vmem>>)
    %add3A_116 = arith.constant 24576 : i32
    %add3A_117 = arith.addi %mul3A_2, %add3A_116 : i32
    %dma_start3A_118 = arith.constant 0 : i32
    %dma_start3A_119 = arith.constant 0 : i32
    %dma_start3A_120 = arith.constant 0 : i32
    %dma_start3A_121 = tpu.memref_slice %arg6[%dma_start3A_118, %dma_start3A_119, %dma_start3A_120] : memref<8x128x64xf32, #tpu.memory_space<vmem>> -> memref<1x128x64xf32, #tpu.memory_space<vmem>>
    %dma_start3A_122 = tpu.memref_squeeze %dma_start3A_121 : memref<1x128x64xf32, #tpu.memory_space<vmem>> -> memref<128x64xf32, #tpu.memory_space<vmem>>
    %dma_start3A_123 = arith.constant 0 : i32
    %dma_start3A_124 = tpu.memref_slice %arg4[%add3A_117, %dma_start3A_123] : memref<819200x64xf32, #tpu.memory_space<hbm>> -> memref<128x64xf32, #tpu.memory_space<hbm>>
    %dma_start3A_125 = arith.constant 0 : i32
    %dma_start3A_126 = tpu.memref_slice %arg4[%add3A_117, %dma_start3A_125] : memref<819200x64xf32, #tpu.memory_space<hbm>> -> memref<128x64xf32, #tpu.memory_space<hbm>>
    %dma_start3A_127 = arith.constant 0 : i32
    %dma_start3A_128 = arith.constant 0 : i32
    %dma_start3A_129 = tpu.memref_slice %arg6[%dma_start3A_118, %dma_start3A_127, %dma_start3A_128] : memref<8x128x64xf32, #tpu.memory_space<vmem>> -> memref<1x128x64xf32, #tpu.memory_space<vmem>>
    %dma_start3A_130 = tpu.memref_squeeze %dma_start3A_129 : memref<1x128x64xf32, #tpu.memory_space<vmem>> -> memref<128x64xf32, #tpu.memory_space<vmem>>
    tpu.enqueue_dma source(%dma_start3A_130 : memref<128x64xf32, #tpu.memory_space<vmem>>) target(%dma_start3A_126 : memref<128x64xf32, #tpu.memory_space<hbm>>) target_semaphore(%arg15 : memref<!tpu.dma_semaphore, #tpu.memory_space<semaphore_mem>>)
    %dma_wait3A_131 = arith.constant 193 : i32
    %dma_wait3A_132 = arith.constant 1 : i32
    %dma_wait3A_133 = arith.constant 0 : i32
    %dma_wait3A_134 = arith.constant 0 : i32
    %dma_wait3A_135 = tpu.memref_slice %arg6[%dma_wait3A_132, %dma_wait3A_133, %dma_wait3A_134] : memref<8x128x64xf32, #tpu.memory_space<vmem>> -> memref<1x128x64xf32, #tpu.memory_space<vmem>>
    %dma_wait3A_136 = tpu.memref_squeeze %dma_wait3A_135 : memref<1x128x64xf32, #tpu.memory_space<vmem>> -> memref<128x64xf32, #tpu.memory_space<vmem>>
    %dma_wait3A_137 = arith.constant 0 : i32
    %dma_wait3A_138 = tpu.memref_slice %arg5[%dma_wait3A_131, %dma_wait3A_137] : memref<200x128xi32, #tpu.memory_space<vmem>> -> memref<1x128xi32, #tpu.memory_space<vmem>>
    %dma_wait3A_139 = tpu.memref_squeeze %dma_wait3A_138 : memref<1x128xi32, #tpu.memory_space<vmem>> -> memref<128xi32, #tpu.memory_space<vmem>>
    %dma_wait3A_140 = arith.constant 0 : i32
    %dma_wait3A_141 = arith.constant 0 : i32
    %dma_wait3A_142 = tpu.memref_slice %arg3[%dma_wait3A_140, %dma_wait3A_141] : memref<1000000x64xf32, #tpu.memory_space<hbm>> -> memref<1000000x64xf32, #tpu.memory_space<hbm>>
    tpu.wait_indirect_dma semaphore(%arg8 : memref<!tpu.dma_semaphore, #tpu.memory_space<semaphore_mem>>) src(%dma_wait3A_142 : memref<1000000x64xf32, #tpu.memory_space<hbm>>) dst(%dma_wait3A_136 : memref<128x64xf32, #tpu.memory_space<vmem>>)
    %add3A_143 = arith.constant 24704 : i32
    %add3A_144 = arith.addi %mul3A_2, %add3A_143 : i32
    %dma_start3A_145 = arith.constant 1 : i32
    %dma_start3A_146 = arith.constant 0 : i32
    %dma_start3A_147 = arith.constant 0 : i32
    %dma_start3A_148 = tpu.memref_slice %arg6[%dma_start3A_145, %dma_start3A_146, %dma_start3A_147] : memref<8x128x64xf32, #tpu.memory_space<vmem>> -> memref<1x128x64xf32, #tpu.memory_space<vmem>>
    %dma_start3A_149 = tpu.memref_squeeze %dma_start3A_148 : memref<1x128x64xf32, #tpu.memory_space<vmem>> -> memref<128x64xf32, #tpu.memory_space<vmem>>
    %dma_start3A_150 = arith.constant 0 : i32
    %dma_start3A_151 = tpu.memref_slice %arg4[%add3A_144, %dma_start3A_150] : memref<819200x64xf32, #tpu.memory_space<hbm>> -> memref<128x64xf32, #tpu.memory_space<hbm>>
    %dma_start3A_152 = arith.constant 0 : i32
    %dma_start3A_153 = tpu.memref_slice %arg4[%add3A_144, %dma_start3A_152] : memref<819200x64xf32, #tpu.memory_space<hbm>> -> memref<128x64xf32, #tpu.memory_space<hbm>>
    %dma_start3A_154 = arith.constant 0 : i32
    %dma_start3A_155 = arith.constant 0 : i32
    %dma_start3A_156 = tpu.memref_slice %arg6[%dma_start3A_145, %dma_start3A_154, %dma_start3A_155] : memref<8x128x64xf32, #tpu.memory_space<vmem>> -> memref<1x128x64xf32, #tpu.memory_space<vmem>>
    %dma_start3A_157 = tpu.memref_squeeze %dma_start3A_156 : memref<1x128x64xf32, #tpu.memory_space<vmem>> -> memref<128x64xf32, #tpu.memory_space<vmem>>
    tpu.enqueue_dma source(%dma_start3A_157 : memref<128x64xf32, #tpu.memory_space<vmem>>) target(%dma_start3A_153 : memref<128x64xf32, #tpu.memory_space<hbm>>) target_semaphore(%arg16 : memref<!tpu.dma_semaphore, #tpu.memory_space<semaphore_mem>>)
    %dma_wait3A_158 = arith.constant 194 : i32
    %dma_wait3A_159 = arith.constant 2 : i32
    %dma_wait3A_160 = arith.constant 0 : i32
    %dma_wait3A_161 = arith.constant 0 : i32
    %dma_wait3A_162 = tpu.memref_slice %arg6[%dma_wait3A_159, %dma_wait3A_160, %dma_wait3A_161] : memref<8x128x64xf32, #tpu.memory_space<vmem>> -> memref<1x128x64xf32, #tpu.memory_space<vmem>>
    %dma_wait3A_163 = tpu.memref_squeeze %dma_wait3A_162 : memref<1x128x64xf32, #tpu.memory_space<vmem>> -> memref<128x64xf32, #tpu.memory_space<vmem>>
    %dma_wait3A_164 = arith.constant 0 : i32
    %dma_wait3A_165 = tpu.memref_slice %arg5[%dma_wait3A_158, %dma_wait3A_164] : memref<200x128xi32, #tpu.memory_space<vmem>> -> memref<1x128xi32, #tpu.memory_space<vmem>>
    %dma_wait3A_166 = tpu.memref_squeeze %dma_wait3A_165 : memref<1x128xi32, #tpu.memory_space<vmem>> -> memref<128xi32, #tpu.memory_space<vmem>>
    %dma_wait3A_167 = arith.constant 0 : i32
    %dma_wait3A_168 = arith.constant 0 : i32
    %dma_wait3A_169 = tpu.memref_slice %arg3[%dma_wait3A_167, %dma_wait3A_168] : memref<1000000x64xf32, #tpu.memory_space<hbm>> -> memref<1000000x64xf32, #tpu.memory_space<hbm>>
    tpu.wait_indirect_dma semaphore(%arg9 : memref<!tpu.dma_semaphore, #tpu.memory_space<semaphore_mem>>) src(%dma_wait3A_169 : memref<1000000x64xf32, #tpu.memory_space<hbm>>) dst(%dma_wait3A_163 : memref<128x64xf32, #tpu.memory_space<vmem>>)
    %add3A_170 = arith.constant 24832 : i32
    %add3A_171 = arith.addi %mul3A_2, %add3A_170 : i32
    %dma_start3A_172 = arith.constant 2 : i32
    %dma_start3A_173 = arith.constant 0 : i32
    %dma_start3A_174 = arith.constant 0 : i32
    %dma_start3A_175 = tpu.memref_slice %arg6[%dma_start3A_172, %dma_start3A_173, %dma_start3A_174] : memref<8x128x64xf32, #tpu.memory_space<vmem>> -> memref<1x128x64xf32, #tpu.memory_space<vmem>>
    %dma_start3A_176 = tpu.memref_squeeze %dma_start3A_175 : memref<1x128x64xf32, #tpu.memory_space<vmem>> -> memref<128x64xf32, #tpu.memory_space<vmem>>
    %dma_start3A_177 = arith.constant 0 : i32
    %dma_start3A_178 = tpu.memref_slice %arg4[%add3A_171, %dma_start3A_177] : memref<819200x64xf32, #tpu.memory_space<hbm>> -> memref<128x64xf32, #tpu.memory_space<hbm>>
    %dma_start3A_179 = arith.constant 0 : i32
    %dma_start3A_180 = tpu.memref_slice %arg4[%add3A_171, %dma_start3A_179] : memref<819200x64xf32, #tpu.memory_space<hbm>> -> memref<128x64xf32, #tpu.memory_space<hbm>>
    %dma_start3A_181 = arith.constant 0 : i32
    %dma_start3A_182 = arith.constant 0 : i32
    %dma_start3A_183 = tpu.memref_slice %arg6[%dma_start3A_172, %dma_start3A_181, %dma_start3A_182] : memref<8x128x64xf32, #tpu.memory_space<vmem>> -> memref<1x128x64xf32, #tpu.memory_space<vmem>>
    %dma_start3A_184 = tpu.memref_squeeze %dma_start3A_183 : memref<1x128x64xf32, #tpu.memory_space<vmem>> -> memref<128x64xf32, #tpu.memory_space<vmem>>
    tpu.enqueue_dma source(%dma_start3A_184 : memref<128x64xf32, #tpu.memory_space<vmem>>) target(%dma_start3A_180 : memref<128x64xf32, #tpu.memory_space<hbm>>) target_semaphore(%arg17 : memref<!tpu.dma_semaphore, #tpu.memory_space<semaphore_mem>>)
    %dma_wait3A_185 = arith.constant 195 : i32
    %dma_wait3A_186 = arith.constant 3 : i32
    %dma_wait3A_187 = arith.constant 0 : i32
    %dma_wait3A_188 = arith.constant 0 : i32
    %dma_wait3A_189 = tpu.memref_slice %arg6[%dma_wait3A_186, %dma_wait3A_187, %dma_wait3A_188] : memref<8x128x64xf32, #tpu.memory_space<vmem>> -> memref<1x128x64xf32, #tpu.memory_space<vmem>>
    %dma_wait3A_190 = tpu.memref_squeeze %dma_wait3A_189 : memref<1x128x64xf32, #tpu.memory_space<vmem>> -> memref<128x64xf32, #tpu.memory_space<vmem>>
    %dma_wait3A_191 = arith.constant 0 : i32
    %dma_wait3A_192 = tpu.memref_slice %arg5[%dma_wait3A_185, %dma_wait3A_191] : memref<200x128xi32, #tpu.memory_space<vmem>> -> memref<1x128xi32, #tpu.memory_space<vmem>>
    %dma_wait3A_193 = tpu.memref_squeeze %dma_wait3A_192 : memref<1x128xi32, #tpu.memory_space<vmem>> -> memref<128xi32, #tpu.memory_space<vmem>>
    %dma_wait3A_194 = arith.constant 0 : i32
    %dma_wait3A_195 = arith.constant 0 : i32
    %dma_wait3A_196 = tpu.memref_slice %arg3[%dma_wait3A_194, %dma_wait3A_195] : memref<1000000x64xf32, #tpu.memory_space<hbm>> -> memref<1000000x64xf32, #tpu.memory_space<hbm>>
    tpu.wait_indirect_dma semaphore(%arg10 : memref<!tpu.dma_semaphore, #tpu.memory_space<semaphore_mem>>) src(%dma_wait3A_196 : memref<1000000x64xf32, #tpu.memory_space<hbm>>) dst(%dma_wait3A_190 : memref<128x64xf32, #tpu.memory_space<vmem>>)
    %add3A_197 = arith.constant 24960 : i32
    %add3A_198 = arith.addi %mul3A_2, %add3A_197 : i32
    %dma_start3A_199 = arith.constant 3 : i32
    %dma_start3A_200 = arith.constant 0 : i32
    %dma_start3A_201 = arith.constant 0 : i32
    %dma_start3A_202 = tpu.memref_slice %arg6[%dma_start3A_199, %dma_start3A_200, %dma_start3A_201] : memref<8x128x64xf32, #tpu.memory_space<vmem>> -> memref<1x128x64xf32, #tpu.memory_space<vmem>>
    %dma_start3A_203 = tpu.memref_squeeze %dma_start3A_202 : memref<1x128x64xf32, #tpu.memory_space<vmem>> -> memref<128x64xf32, #tpu.memory_space<vmem>>
    %dma_start3A_204 = arith.constant 0 : i32
    %dma_start3A_205 = tpu.memref_slice %arg4[%add3A_198, %dma_start3A_204] : memref<819200x64xf32, #tpu.memory_space<hbm>> -> memref<128x64xf32, #tpu.memory_space<hbm>>
    %dma_start3A_206 = arith.constant 0 : i32
    %dma_start3A_207 = tpu.memref_slice %arg4[%add3A_198, %dma_start3A_206] : memref<819200x64xf32, #tpu.memory_space<hbm>> -> memref<128x64xf32, #tpu.memory_space<hbm>>
    %dma_start3A_208 = arith.constant 0 : i32
    %dma_start3A_209 = arith.constant 0 : i32
    %dma_start3A_210 = tpu.memref_slice %arg6[%dma_start3A_199, %dma_start3A_208, %dma_start3A_209] : memref<8x128x64xf32, #tpu.memory_space<vmem>> -> memref<1x128x64xf32, #tpu.memory_space<vmem>>
    %dma_start3A_211 = tpu.memref_squeeze %dma_start3A_210 : memref<1x128x64xf32, #tpu.memory_space<vmem>> -> memref<128x64xf32, #tpu.memory_space<vmem>>
    tpu.enqueue_dma source(%dma_start3A_211 : memref<128x64xf32, #tpu.memory_space<vmem>>) target(%dma_start3A_207 : memref<128x64xf32, #tpu.memory_space<hbm>>) target_semaphore(%arg18 : memref<!tpu.dma_semaphore, #tpu.memory_space<semaphore_mem>>)
    %dma_wait3A_212 = arith.constant 196 : i32
    %dma_wait3A_213 = arith.constant 4 : i32
    %dma_wait3A_214 = arith.constant 0 : i32
    %dma_wait3A_215 = arith.constant 0 : i32
    %dma_wait3A_216 = tpu.memref_slice %arg6[%dma_wait3A_213, %dma_wait3A_214, %dma_wait3A_215] : memref<8x128x64xf32, #tpu.memory_space<vmem>> -> memref<1x128x64xf32, #tpu.memory_space<vmem>>
    %dma_wait3A_217 = tpu.memref_squeeze %dma_wait3A_216 : memref<1x128x64xf32, #tpu.memory_space<vmem>> -> memref<128x64xf32, #tpu.memory_space<vmem>>
    %dma_wait3A_218 = arith.constant 0 : i32
    %dma_wait3A_219 = tpu.memref_slice %arg5[%dma_wait3A_212, %dma_wait3A_218] : memref<200x128xi32, #tpu.memory_space<vmem>> -> memref<1x128xi32, #tpu.memory_space<vmem>>
    %dma_wait3A_220 = tpu.memref_squeeze %dma_wait3A_219 : memref<1x128xi32, #tpu.memory_space<vmem>> -> memref<128xi32, #tpu.memory_space<vmem>>
    %dma_wait3A_221 = arith.constant 0 : i32
    %dma_wait3A_222 = arith.constant 0 : i32
    %dma_wait3A_223 = tpu.memref_slice %arg3[%dma_wait3A_221, %dma_wait3A_222] : memref<1000000x64xf32, #tpu.memory_space<hbm>> -> memref<1000000x64xf32, #tpu.memory_space<hbm>>
    tpu.wait_indirect_dma semaphore(%arg11 : memref<!tpu.dma_semaphore, #tpu.memory_space<semaphore_mem>>) src(%dma_wait3A_223 : memref<1000000x64xf32, #tpu.memory_space<hbm>>) dst(%dma_wait3A_217 : memref<128x64xf32, #tpu.memory_space<vmem>>)
    %add3A_224 = arith.constant 25088 : i32
    %add3A_225 = arith.addi %mul3A_2, %add3A_224 : i32
    %dma_start3A_226 = arith.constant 4 : i32
    %dma_start3A_227 = arith.constant 0 : i32
    %dma_start3A_228 = arith.constant 0 : i32
    %dma_start3A_229 = tpu.memref_slice %arg6[%dma_start3A_226, %dma_start3A_227, %dma_start3A_228] : memref<8x128x64xf32, #tpu.memory_space<vmem>> -> memref<1x128x64xf32, #tpu.memory_space<vmem>>
    %dma_start3A_230 = tpu.memref_squeeze %dma_start3A_229 : memref<1x128x64xf32, #tpu.memory_space<vmem>> -> memref<128x64xf32, #tpu.memory_space<vmem>>
    %dma_start3A_231 = arith.constant 0 : i32
    %dma_start3A_232 = tpu.memref_slice %arg4[%add3A_225, %dma_start3A_231] : memref<819200x64xf32, #tpu.memory_space<hbm>> -> memref<128x64xf32, #tpu.memory_space<hbm>>
    %dma_start3A_233 = arith.constant 0 : i32
    %dma_start3A_234 = tpu.memref_slice %arg4[%add3A_225, %dma_start3A_233] : memref<819200x64xf32, #tpu.memory_space<hbm>> -> memref<128x64xf32, #tpu.memory_space<hbm>>
    %dma_start3A_235 = arith.constant 0 : i32
    %dma_start3A_236 = arith.constant 0 : i32
    %dma_start3A_237 = tpu.memref_slice %arg6[%dma_start3A_226, %dma_start3A_235, %dma_start3A_236] : memref<8x128x64xf32, #tpu.memory_space<vmem>> -> memref<1x128x64xf32, #tpu.memory_space<vmem>>
    %dma_start3A_238 = tpu.memref_squeeze %dma_start3A_237 : memref<1x128x64xf32, #tpu.memory_space<vmem>> -> memref<128x64xf32, #tpu.memory_space<vmem>>
    tpu.enqueue_dma source(%dma_start3A_238 : memref<128x64xf32, #tpu.memory_space<vmem>>) target(%dma_start3A_234 : memref<128x64xf32, #tpu.memory_space<hbm>>) target_semaphore(%arg19 : memref<!tpu.dma_semaphore, #tpu.memory_space<semaphore_mem>>)
    %dma_wait3A_239 = arith.constant 197 : i32
    %dma_wait3A_240 = arith.constant 5 : i32
    %dma_wait3A_241 = arith.constant 0 : i32
    %dma_wait3A_242 = arith.constant 0 : i32
    %dma_wait3A_243 = tpu.memref_slice %arg6[%dma_wait3A_240, %dma_wait3A_241, %dma_wait3A_242] : memref<8x128x64xf32, #tpu.memory_space<vmem>> -> memref<1x128x64xf32, #tpu.memory_space<vmem>>
    %dma_wait3A_244 = tpu.memref_squeeze %dma_wait3A_243 : memref<1x128x64xf32, #tpu.memory_space<vmem>> -> memref<128x64xf32, #tpu.memory_space<vmem>>
    %dma_wait3A_245 = arith.constant 0 : i32
    %dma_wait3A_246 = tpu.memref_slice %arg5[%dma_wait3A_239, %dma_wait3A_245] : memref<200x128xi32, #tpu.memory_space<vmem>> -> memref<1x128xi32, #tpu.memory_space<vmem>>
    %dma_wait3A_247 = tpu.memref_squeeze %dma_wait3A_246 : memref<1x128xi32, #tpu.memory_space<vmem>> -> memref<128xi32, #tpu.memory_space<vmem>>
    %dma_wait3A_248 = arith.constant 0 : i32
    %dma_wait3A_249 = arith.constant 0 : i32
    %dma_wait3A_250 = tpu.memref_slice %arg3[%dma_wait3A_248, %dma_wait3A_249] : memref<1000000x64xf32, #tpu.memory_space<hbm>> -> memref<1000000x64xf32, #tpu.memory_space<hbm>>
    tpu.wait_indirect_dma semaphore(%arg12 : memref<!tpu.dma_semaphore, #tpu.memory_space<semaphore_mem>>) src(%dma_wait3A_250 : memref<1000000x64xf32, #tpu.memory_space<hbm>>) dst(%dma_wait3A_244 : memref<128x64xf32, #tpu.memory_space<vmem>>)
    %add3A_251 = arith.constant 25216 : i32
    %add3A_252 = arith.addi %mul3A_2, %add3A_251 : i32
    %dma_start3A_253 = arith.constant 5 : i32
    %dma_start3A_254 = arith.constant 0 : i32
    %dma_start3A_255 = arith.constant 0 : i32
    %dma_start3A_256 = tpu.memref_slice %arg6[%dma_start3A_253, %dma_start3A_254, %dma_start3A_255] : memref<8x128x64xf32, #tpu.memory_space<vmem>> -> memref<1x128x64xf32, #tpu.memory_space<vmem>>
    %dma_start3A_257 = tpu.memref_squeeze %dma_start3A_256 : memref<1x128x64xf32, #tpu.memory_space<vmem>> -> memref<128x64xf32, #tpu.memory_space<vmem>>
    %dma_start3A_258 = arith.constant 0 : i32
    %dma_start3A_259 = tpu.memref_slice %arg4[%add3A_252, %dma_start3A_258] : memref<819200x64xf32, #tpu.memory_space<hbm>> -> memref<128x64xf32, #tpu.memory_space<hbm>>
    %dma_start3A_260 = arith.constant 0 : i32
    %dma_start3A_261 = tpu.memref_slice %arg4[%add3A_252, %dma_start3A_260] : memref<819200x64xf32, #tpu.memory_space<hbm>> -> memref<128x64xf32, #tpu.memory_space<hbm>>
    %dma_start3A_262 = arith.constant 0 : i32
    %dma_start3A_263 = arith.constant 0 : i32
    %dma_start3A_264 = tpu.memref_slice %arg6[%dma_start3A_253, %dma_start3A_262, %dma_start3A_263] : memref<8x128x64xf32, #tpu.memory_space<vmem>> -> memref<1x128x64xf32, #tpu.memory_space<vmem>>
    %dma_start3A_265 = tpu.memref_squeeze %dma_start3A_264 : memref<1x128x64xf32, #tpu.memory_space<vmem>> -> memref<128x64xf32, #tpu.memory_space<vmem>>
    tpu.enqueue_dma source(%dma_start3A_265 : memref<128x64xf32, #tpu.memory_space<vmem>>) target(%dma_start3A_261 : memref<128x64xf32, #tpu.memory_space<hbm>>) target_semaphore(%arg20 : memref<!tpu.dma_semaphore, #tpu.memory_space<semaphore_mem>>)
    %dma_wait3A_266 = arith.constant 198 : i32
    %dma_wait3A_267 = arith.constant 6 : i32
    %dma_wait3A_268 = arith.constant 0 : i32
    %dma_wait3A_269 = arith.constant 0 : i32
    %dma_wait3A_270 = tpu.memref_slice %arg6[%dma_wait3A_267, %dma_wait3A_268, %dma_wait3A_269] : memref<8x128x64xf32, #tpu.memory_space<vmem>> -> memref<1x128x64xf32, #tpu.memory_space<vmem>>
    %dma_wait3A_271 = tpu.memref_squeeze %dma_wait3A_270 : memref<1x128x64xf32, #tpu.memory_space<vmem>> -> memref<128x64xf32, #tpu.memory_space<vmem>>
    %dma_wait3A_272 = arith.constant 0 : i32
    %dma_wait3A_273 = tpu.memref_slice %arg5[%dma_wait3A_266, %dma_wait3A_272] : memref<200x128xi32, #tpu.memory_space<vmem>> -> memref<1x128xi32, #tpu.memory_space<vmem>>
    %dma_wait3A_274 = tpu.memref_squeeze %dma_wait3A_273 : memref<1x128xi32, #tpu.memory_space<vmem>> -> memref<128xi32, #tpu.memory_space<vmem>>
    %dma_wait3A_275 = arith.constant 0 : i32
    %dma_wait3A_276 = arith.constant 0 : i32
    %dma_wait3A_277 = tpu.memref_slice %arg3[%dma_wait3A_275, %dma_wait3A_276] : memref<1000000x64xf32, #tpu.memory_space<hbm>> -> memref<1000000x64xf32, #tpu.memory_space<hbm>>
    tpu.wait_indirect_dma semaphore(%arg13 : memref<!tpu.dma_semaphore, #tpu.memory_space<semaphore_mem>>) src(%dma_wait3A_277 : memref<1000000x64xf32, #tpu.memory_space<hbm>>) dst(%dma_wait3A_271 : memref<128x64xf32, #tpu.memory_space<vmem>>)
    %add3A_278 = arith.constant 25344 : i32
    %add3A_279 = arith.addi %mul3A_2, %add3A_278 : i32
    %dma_start3A_280 = arith.constant 6 : i32
    %dma_start3A_281 = arith.constant 0 : i32
    %dma_start3A_282 = arith.constant 0 : i32
    %dma_start3A_283 = tpu.memref_slice %arg6[%dma_start3A_280, %dma_start3A_281, %dma_start3A_282] : memref<8x128x64xf32, #tpu.memory_space<vmem>> -> memref<1x128x64xf32, #tpu.memory_space<vmem>>
    %dma_start3A_284 = tpu.memref_squeeze %dma_start3A_283 : memref<1x128x64xf32, #tpu.memory_space<vmem>> -> memref<128x64xf32, #tpu.memory_space<vmem>>
    %dma_start3A_285 = arith.constant 0 : i32
    %dma_start3A_286 = tpu.memref_slice %arg4[%add3A_279, %dma_start3A_285] : memref<819200x64xf32, #tpu.memory_space<hbm>> -> memref<128x64xf32, #tpu.memory_space<hbm>>
    %dma_start3A_287 = arith.constant 0 : i32
    %dma_start3A_288 = tpu.memref_slice %arg4[%add3A_279, %dma_start3A_287] : memref<819200x64xf32, #tpu.memory_space<hbm>> -> memref<128x64xf32, #tpu.memory_space<hbm>>
    %dma_start3A_289 = arith.constant 0 : i32
    %dma_start3A_290 = arith.constant 0 : i32
    %dma_start3A_291 = tpu.memref_slice %arg6[%dma_start3A_280, %dma_start3A_289, %dma_start3A_290] : memref<8x128x64xf32, #tpu.memory_space<vmem>> -> memref<1x128x64xf32, #tpu.memory_space<vmem>>
    %dma_start3A_292 = tpu.memref_squeeze %dma_start3A_291 : memref<1x128x64xf32, #tpu.memory_space<vmem>> -> memref<128x64xf32, #tpu.memory_space<vmem>>
    tpu.enqueue_dma source(%dma_start3A_292 : memref<128x64xf32, #tpu.memory_space<vmem>>) target(%dma_start3A_288 : memref<128x64xf32, #tpu.memory_space<hbm>>) target_semaphore(%arg21 : memref<!tpu.dma_semaphore, #tpu.memory_space<semaphore_mem>>)
    %dma_wait3A_293 = arith.constant 199 : i32
    %dma_wait3A_294 = arith.constant 7 : i32
    %dma_wait3A_295 = arith.constant 0 : i32
    %dma_wait3A_296 = arith.constant 0 : i32
    %dma_wait3A_297 = tpu.memref_slice %arg6[%dma_wait3A_294, %dma_wait3A_295, %dma_wait3A_296] : memref<8x128x64xf32, #tpu.memory_space<vmem>> -> memref<1x128x64xf32, #tpu.memory_space<vmem>>
    %dma_wait3A_298 = tpu.memref_squeeze %dma_wait3A_297 : memref<1x128x64xf32, #tpu.memory_space<vmem>> -> memref<128x64xf32, #tpu.memory_space<vmem>>
    %dma_wait3A_299 = arith.constant 0 : i32
    %dma_wait3A_300 = tpu.memref_slice %arg5[%dma_wait3A_293, %dma_wait3A_299] : memref<200x128xi32, #tpu.memory_space<vmem>> -> memref<1x128xi32, #tpu.memory_space<vmem>>
    %dma_wait3A_301 = tpu.memref_squeeze %dma_wait3A_300 : memref<1x128xi32, #tpu.memory_space<vmem>> -> memref<128xi32, #tpu.memory_space<vmem>>
    %dma_wait3A_302 = arith.constant 0 : i32
    %dma_wait3A_303 = arith.constant 0 : i32
    %dma_wait3A_304 = tpu.memref_slice %arg3[%dma_wait3A_302, %dma_wait3A_303] : memref<1000000x64xf32, #tpu.memory_space<hbm>> -> memref<1000000x64xf32, #tpu.memory_space<hbm>>
    tpu.wait_indirect_dma semaphore(%arg14 : memref<!tpu.dma_semaphore, #tpu.memory_space<semaphore_mem>>) src(%dma_wait3A_304 : memref<1000000x64xf32, #tpu.memory_space<hbm>>) dst(%dma_wait3A_298 : memref<128x64xf32, #tpu.memory_space<vmem>>)
    %add3A_305 = arith.constant 25472 : i32
    %add3A_306 = arith.addi %mul3A_2, %add3A_305 : i32
    %dma_start3A_307 = arith.constant 7 : i32
    %dma_start3A_308 = arith.constant 0 : i32
    %dma_start3A_309 = arith.constant 0 : i32
    %dma_start3A_310 = tpu.memref_slice %arg6[%dma_start3A_307, %dma_start3A_308, %dma_start3A_309] : memref<8x128x64xf32, #tpu.memory_space<vmem>> -> memref<1x128x64xf32, #tpu.memory_space<vmem>>
    %dma_start3A_311 = tpu.memref_squeeze %dma_start3A_310 : memref<1x128x64xf32, #tpu.memory_space<vmem>> -> memref<128x64xf32, #tpu.memory_space<vmem>>
    %dma_start3A_312 = arith.constant 0 : i32
    %dma_start3A_313 = tpu.memref_slice %arg4[%add3A_306, %dma_start3A_312] : memref<819200x64xf32, #tpu.memory_space<hbm>> -> memref<128x64xf32, #tpu.memory_space<hbm>>
    %dma_start3A_314 = arith.constant 0 : i32
    %dma_start3A_315 = tpu.memref_slice %arg4[%add3A_306, %dma_start3A_314] : memref<819200x64xf32, #tpu.memory_space<hbm>> -> memref<128x64xf32, #tpu.memory_space<hbm>>
    %dma_start3A_316 = arith.constant 0 : i32
    %dma_start3A_317 = arith.constant 0 : i32
    %dma_start3A_318 = tpu.memref_slice %arg6[%dma_start3A_307, %dma_start3A_316, %dma_start3A_317] : memref<8x128x64xf32, #tpu.memory_space<vmem>> -> memref<1x128x64xf32, #tpu.memory_space<vmem>>
    %dma_start3A_319 = tpu.memref_squeeze %dma_start3A_318 : memref<1x128x64xf32, #tpu.memory_space<vmem>> -> memref<128x64xf32, #tpu.memory_space<vmem>>
    tpu.enqueue_dma source(%dma_start3A_319 : memref<128x64xf32, #tpu.memory_space<vmem>>) target(%dma_start3A_315 : memref<128x64xf32, #tpu.memory_space<hbm>>) target_semaphore(%arg22 : memref<!tpu.dma_semaphore, #tpu.memory_space<semaphore_mem>>)
    %add3A_320 = arith.constant 24576 : i32
    %add3A_321 = arith.addi %mul3A_2, %add3A_320 : i32
    %dma_wait3A_322 = arith.constant 0 : i32
    %dma_wait3A_323 = arith.constant 0 : i32
    %dma_wait3A_324 = arith.constant 0 : i32
    %dma_wait3A_325 = tpu.memref_slice %arg6[%dma_wait3A_322, %dma_wait3A_323, %dma_wait3A_324] : memref<8x128x64xf32, #tpu.memory_space<vmem>> -> memref<1x128x64xf32, #tpu.memory_space<vmem>>
    %dma_wait3A_326 = tpu.memref_squeeze %dma_wait3A_325 : memref<1x128x64xf32, #tpu.memory_space<vmem>> -> memref<128x64xf32, #tpu.memory_space<vmem>>
    %dma_wait3A_327 = arith.constant 0 : i32
    %dma_wait3A_328 = tpu.memref_slice %arg4[%add3A_321, %dma_wait3A_327] : memref<819200x64xf32, #tpu.memory_space<hbm>> -> memref<128x64xf32, #tpu.memory_space<hbm>>
    %dma_wait3A_329 = arith.constant 0 : i32
    %dma_wait3A_330 = tpu.memref_slice %arg4[%add3A_321, %dma_wait3A_329] : memref<819200x64xf32, #tpu.memory_space<hbm>> -> memref<128x64xf32, #tpu.memory_space<hbm>>
    %dma_wait3A_331 = arith.constant 0 : i32
    %dma_wait3A_332 = arith.constant 0 : i32
    %dma_wait3A_333 = tpu.memref_slice %arg6[%dma_wait3A_322, %dma_wait3A_331, %dma_wait3A_332] : memref<8x128x64xf32, #tpu.memory_space<vmem>> -> memref<1x128x64xf32, #tpu.memory_space<vmem>>
    %dma_wait3A_334 = tpu.memref_squeeze %dma_wait3A_333 : memref<1x128x64xf32, #tpu.memory_space<vmem>> -> memref<128x64xf32, #tpu.memory_space<vmem>>
    tpu.wait_dma2 semaphore(%arg15 : memref<!tpu.dma_semaphore, #tpu.memory_space<semaphore_mem>>) src(%dma_wait3A_334 : memref<128x64xf32, #tpu.memory_space<vmem>>) dst(%dma_wait3A_330 : memref<128x64xf32, #tpu.memory_space<hbm>>)
    %add3A_335 = arith.constant 24704 : i32
    %add3A_336 = arith.addi %mul3A_2, %add3A_335 : i32
    %dma_wait3A_337 = arith.constant 1 : i32
    %dma_wait3A_338 = arith.constant 0 : i32
    %dma_wait3A_339 = arith.constant 0 : i32
    %dma_wait3A_340 = tpu.memref_slice %arg6[%dma_wait3A_337, %dma_wait3A_338, %dma_wait3A_339] : memref<8x128x64xf32, #tpu.memory_space<vmem>> -> memref<1x128x64xf32, #tpu.memory_space<vmem>>
    %dma_wait3A_341 = tpu.memref_squeeze %dma_wait3A_340 : memref<1x128x64xf32, #tpu.memory_space<vmem>> -> memref<128x64xf32, #tpu.memory_space<vmem>>
    %dma_wait3A_342 = arith.constant 0 : i32
    %dma_wait3A_343 = tpu.memref_slice %arg4[%add3A_336, %dma_wait3A_342] : memref<819200x64xf32, #tpu.memory_space<hbm>> -> memref<128x64xf32, #tpu.memory_space<hbm>>
    %dma_wait3A_344 = arith.constant 0 : i32
    %dma_wait3A_345 = tpu.memref_slice %arg4[%add3A_336, %dma_wait3A_344] : memref<819200x64xf32, #tpu.memory_space<hbm>> -> memref<128x64xf32, #tpu.memory_space<hbm>>
    %dma_wait3A_346 = arith.constant 0 : i32
    %dma_wait3A_347 = arith.constant 0 : i32
    %dma_wait3A_348 = tpu.memref_slice %arg6[%dma_wait3A_337, %dma_wait3A_346, %dma_wait3A_347] : memref<8x128x64xf32, #tpu.memory_space<vmem>> -> memref<1x128x64xf32, #tpu.memory_space<vmem>>
    %dma_wait3A_349 = tpu.memref_squeeze %dma_wait3A_348 : memref<1x128x64xf32, #tpu.memory_space<vmem>> -> memref<128x64xf32, #tpu.memory_space<vmem>>
    tpu.wait_dma2 semaphore(%arg16 : memref<!tpu.dma_semaphore, #tpu.memory_space<semaphore_mem>>) src(%dma_wait3A_349 : memref<128x64xf32, #tpu.memory_space<vmem>>) dst(%dma_wait3A_345 : memref<128x64xf32, #tpu.memory_space<hbm>>)
    %add3A_350 = arith.constant 24832 : i32
    %add3A_351 = arith.addi %mul3A_2, %add3A_350 : i32
    %dma_wait3A_352 = arith.constant 2 : i32
    %dma_wait3A_353 = arith.constant 0 : i32
    %dma_wait3A_354 = arith.constant 0 : i32
    %dma_wait3A_355 = tpu.memref_slice %arg6[%dma_wait3A_352, %dma_wait3A_353, %dma_wait3A_354] : memref<8x128x64xf32, #tpu.memory_space<vmem>> -> memref<1x128x64xf32, #tpu.memory_space<vmem>>
    %dma_wait3A_356 = tpu.memref_squeeze %dma_wait3A_355 : memref<1x128x64xf32, #tpu.memory_space<vmem>> -> memref<128x64xf32, #tpu.memory_space<vmem>>
    %dma_wait3A_357 = arith.constant 0 : i32
    %dma_wait3A_358 = tpu.memref_slice %arg4[%add3A_351, %dma_wait3A_357] : memref<819200x64xf32, #tpu.memory_space<hbm>> -> memref<128x64xf32, #tpu.memory_space<hbm>>
    %dma_wait3A_359 = arith.constant 0 : i32
    %dma_wait3A_360 = tpu.memref_slice %arg4[%add3A_351, %dma_wait3A_359] : memref<819200x64xf32, #tpu.memory_space<hbm>> -> memref<128x64xf32, #tpu.memory_space<hbm>>
    %dma_wait3A_361 = arith.constant 0 : i32
    %dma_wait3A_362 = arith.constant 0 : i32
    %dma_wait3A_363 = tpu.memref_slice %arg6[%dma_wait3A_352, %dma_wait3A_361, %dma_wait3A_362] : memref<8x128x64xf32, #tpu.memory_space<vmem>> -> memref<1x128x64xf32, #tpu.memory_space<vmem>>
    %dma_wait3A_364 = tpu.memref_squeeze %dma_wait3A_363 : memref<1x128x64xf32, #tpu.memory_space<vmem>> -> memref<128x64xf32, #tpu.memory_space<vmem>>
    tpu.wait_dma2 semaphore(%arg17 : memref<!tpu.dma_semaphore, #tpu.memory_space<semaphore_mem>>) src(%dma_wait3A_364 : memref<128x64xf32, #tpu.memory_space<vmem>>) dst(%dma_wait3A_360 : memref<128x64xf32, #tpu.memory_space<hbm>>)
    %add3A_365 = arith.constant 24960 : i32
    %add3A_366 = arith.addi %mul3A_2, %add3A_365 : i32
    %dma_wait3A_367 = arith.constant 3 : i32
    %dma_wait3A_368 = arith.constant 0 : i32
    %dma_wait3A_369 = arith.constant 0 : i32
    %dma_wait3A_370 = tpu.memref_slice %arg6[%dma_wait3A_367, %dma_wait3A_368, %dma_wait3A_369] : memref<8x128x64xf32, #tpu.memory_space<vmem>> -> memref<1x128x64xf32, #tpu.memory_space<vmem>>
    %dma_wait3A_371 = tpu.memref_squeeze %dma_wait3A_370 : memref<1x128x64xf32, #tpu.memory_space<vmem>> -> memref<128x64xf32, #tpu.memory_space<vmem>>
    %dma_wait3A_372 = arith.constant 0 : i32
    %dma_wait3A_373 = tpu.memref_slice %arg4[%add3A_366, %dma_wait3A_372] : memref<819200x64xf32, #tpu.memory_space<hbm>> -> memref<128x64xf32, #tpu.memory_space<hbm>>
    %dma_wait3A_374 = arith.constant 0 : i32
    %dma_wait3A_375 = tpu.memref_slice %arg4[%add3A_366, %dma_wait3A_374] : memref<819200x64xf32, #tpu.memory_space<hbm>> -> memref<128x64xf32, #tpu.memory_space<hbm>>
    %dma_wait3A_376 = arith.constant 0 : i32
    %dma_wait3A_377 = arith.constant 0 : i32
    %dma_wait3A_378 = tpu.memref_slice %arg6[%dma_wait3A_367, %dma_wait3A_376, %dma_wait3A_377] : memref<8x128x64xf32, #tpu.memory_space<vmem>> -> memref<1x128x64xf32, #tpu.memory_space<vmem>>
    %dma_wait3A_379 = tpu.memref_squeeze %dma_wait3A_378 : memref<1x128x64xf32, #tpu.memory_space<vmem>> -> memref<128x64xf32, #tpu.memory_space<vmem>>
    tpu.wait_dma2 semaphore(%arg18 : memref<!tpu.dma_semaphore, #tpu.memory_space<semaphore_mem>>) src(%dma_wait3A_379 : memref<128x64xf32, #tpu.memory_space<vmem>>) dst(%dma_wait3A_375 : memref<128x64xf32, #tpu.memory_space<hbm>>)
    %add3A_380 = arith.constant 25088 : i32
    %add3A_381 = arith.addi %mul3A_2, %add3A_380 : i32
    %dma_wait3A_382 = arith.constant 4 : i32
    %dma_wait3A_383 = arith.constant 0 : i32
    %dma_wait3A_384 = arith.constant 0 : i32
    %dma_wait3A_385 = tpu.memref_slice %arg6[%dma_wait3A_382, %dma_wait3A_383, %dma_wait3A_384] : memref<8x128x64xf32, #tpu.memory_space<vmem>> -> memref<1x128x64xf32, #tpu.memory_space<vmem>>
    %dma_wait3A_386 = tpu.memref_squeeze %dma_wait3A_385 : memref<1x128x64xf32, #tpu.memory_space<vmem>> -> memref<128x64xf32, #tpu.memory_space<vmem>>
    %dma_wait3A_387 = arith.constant 0 : i32
    %dma_wait3A_388 = tpu.memref_slice %arg4[%add3A_381, %dma_wait3A_387] : memref<819200x64xf32, #tpu.memory_space<hbm>> -> memref<128x64xf32, #tpu.memory_space<hbm>>
    %dma_wait3A_389 = arith.constant 0 : i32
    %dma_wait3A_390 = tpu.memref_slice %arg4[%add3A_381, %dma_wait3A_389] : memref<819200x64xf32, #tpu.memory_space<hbm>> -> memref<128x64xf32, #tpu.memory_space<hbm>>
    %dma_wait3A_391 = arith.constant 0 : i32
    %dma_wait3A_392 = arith.constant 0 : i32
    %dma_wait3A_393 = tpu.memref_slice %arg6[%dma_wait3A_382, %dma_wait3A_391, %dma_wait3A_392] : memref<8x128x64xf32, #tpu.memory_space<vmem>> -> memref<1x128x64xf32, #tpu.memory_space<vmem>>
    %dma_wait3A_394 = tpu.memref_squeeze %dma_wait3A_393 : memref<1x128x64xf32, #tpu.memory_space<vmem>> -> memref<128x64xf32, #tpu.memory_space<vmem>>
    tpu.wait_dma2 semaphore(%arg19 : memref<!tpu.dma_semaphore, #tpu.memory_space<semaphore_mem>>) src(%dma_wait3A_394 : memref<128x64xf32, #tpu.memory_space<vmem>>) dst(%dma_wait3A_390 : memref<128x64xf32, #tpu.memory_space<hbm>>)
    %add3A_395 = arith.constant 25216 : i32
    %add3A_396 = arith.addi %mul3A_2, %add3A_395 : i32
    %dma_wait3A_397 = arith.constant 5 : i32
    %dma_wait3A_398 = arith.constant 0 : i32
    %dma_wait3A_399 = arith.constant 0 : i32
    %dma_wait3A_400 = tpu.memref_slice %arg6[%dma_wait3A_397, %dma_wait3A_398, %dma_wait3A_399] : memref<8x128x64xf32, #tpu.memory_space<vmem>> -> memref<1x128x64xf32, #tpu.memory_space<vmem>>
    %dma_wait3A_401 = tpu.memref_squeeze %dma_wait3A_400 : memref<1x128x64xf32, #tpu.memory_space<vmem>> -> memref<128x64xf32, #tpu.memory_space<vmem>>
    %dma_wait3A_402 = arith.constant 0 : i32
    %dma_wait3A_403 = tpu.memref_slice %arg4[%add3A_396, %dma_wait3A_402] : memref<819200x64xf32, #tpu.memory_space<hbm>> -> memref<128x64xf32, #tpu.memory_space<hbm>>
    %dma_wait3A_404 = arith.constant 0 : i32
    %dma_wait3A_405 = tpu.memref_slice %arg4[%add3A_396, %dma_wait3A_404] : memref<819200x64xf32, #tpu.memory_space<hbm>> -> memref<128x64xf32, #tpu.memory_space<hbm>>
    %dma_wait3A_406 = arith.constant 0 : i32
    %dma_wait3A_407 = arith.constant 0 : i32
    %dma_wait3A_408 = tpu.memref_slice %arg6[%dma_wait3A_397, %dma_wait3A_406, %dma_wait3A_407] : memref<8x128x64xf32, #tpu.memory_space<vmem>> -> memref<1x128x64xf32, #tpu.memory_space<vmem>>
    %dma_wait3A_409 = tpu.memref_squeeze %dma_wait3A_408 : memref<1x128x64xf32, #tpu.memory_space<vmem>> -> memref<128x64xf32, #tpu.memory_space<vmem>>
    tpu.wait_dma2 semaphore(%arg20 : memref<!tpu.dma_semaphore, #tpu.memory_space<semaphore_mem>>) src(%dma_wait3A_409 : memref<128x64xf32, #tpu.memory_space<vmem>>) dst(%dma_wait3A_405 : memref<128x64xf32, #tpu.memory_space<hbm>>)
    %add3A_410 = arith.constant 25344 : i32
    %add3A_411 = arith.addi %mul3A_2, %add3A_410 : i32
    %dma_wait3A_412 = arith.constant 6 : i32
    %dma_wait3A_413 = arith.constant 0 : i32
    %dma_wait3A_414 = arith.constant 0 : i32
    %dma_wait3A_415 = tpu.memref_slice %arg6[%dma_wait3A_412, %dma_wait3A_413, %dma_wait3A_414] : memref<8x128x64xf32, #tpu.memory_space<vmem>> -> memref<1x128x64xf32, #tpu.memory_space<vmem>>
    %dma_wait3A_416 = tpu.memref_squeeze %dma_wait3A_415 : memref<1x128x64xf32, #tpu.memory_space<vmem>> -> memref<128x64xf32, #tpu.memory_space<vmem>>
    %dma_wait3A_417 = arith.constant 0 : i32
    %dma_wait3A_418 = tpu.memref_slice %arg4[%add3A_411, %dma_wait3A_417] : memref<819200x64xf32, #tpu.memory_space<hbm>> -> memref<128x64xf32, #tpu.memory_space<hbm>>
    %dma_wait3A_419 = arith.constant 0 : i32
    %dma_wait3A_420 = tpu.memref_slice %arg4[%add3A_411, %dma_wait3A_419] : memref<819200x64xf32, #tpu.memory_space<hbm>> -> memref<128x64xf32, #tpu.memory_space<hbm>>
    %dma_wait3A_421 = arith.constant 0 : i32
    %dma_wait3A_422 = arith.constant 0 : i32
    %dma_wait3A_423 = tpu.memref_slice %arg6[%dma_wait3A_412, %dma_wait3A_421, %dma_wait3A_422] : memref<8x128x64xf32, #tpu.memory_space<vmem>> -> memref<1x128x64xf32, #tpu.memory_space<vmem>>
    %dma_wait3A_424 = tpu.memref_squeeze %dma_wait3A_423 : memref<1x128x64xf32, #tpu.memory_space<vmem>> -> memref<128x64xf32, #tpu.memory_space<vmem>>
    tpu.wait_dma2 semaphore(%arg21 : memref<!tpu.dma_semaphore, #tpu.memory_space<semaphore_mem>>) src(%dma_wait3A_424 : memref<128x64xf32, #tpu.memory_space<vmem>>) dst(%dma_wait3A_420 : memref<128x64xf32, #tpu.memory_space<hbm>>)
    %add3A_425 = arith.constant 25472 : i32
    %add3A_426 = arith.addi %mul3A_2, %add3A_425 : i32
    %dma_wait3A_427 = arith.constant 7 : i32
    %dma_wait3A_428 = arith.constant 0 : i32
    %dma_wait3A_429 = arith.constant 0 : i32
    %dma_wait3A_430 = tpu.memref_slice %arg6[%dma_wait3A_427, %dma_wait3A_428, %dma_wait3A_429] : memref<8x128x64xf32, #tpu.memory_space<vmem>> -> memref<1x128x64xf32, #tpu.memory_space<vmem>>
    %dma_wait3A_431 = tpu.memref_squeeze %dma_wait3A_430 : memref<1x128x64xf32, #tpu.memory_space<vmem>> -> memref<128x64xf32, #tpu.memory_space<vmem>>
    %dma_wait3A_432 = arith.constant 0 : i32
    %dma_wait3A_433 = tpu.memref_slice %arg4[%add3A_426, %dma_wait3A_432] : memref<819200x64xf32, #tpu.memory_space<hbm>> -> memref<128x64xf32, #tpu.memory_space<hbm>>
    %dma_wait3A_434 = arith.constant 0 : i32
    %dma_wait3A_435 = tpu.memref_slice %arg4[%add3A_426, %dma_wait3A_434] : memref<819200x64xf32, #tpu.memory_space<hbm>> -> memref<128x64xf32, #tpu.memory_space<hbm>>
    %dma_wait3A_436 = arith.constant 0 : i32
    %dma_wait3A_437 = arith.constant 0 : i32
    %dma_wait3A_438 = tpu.memref_slice %arg6[%dma_wait3A_427, %dma_wait3A_436, %dma_wait3A_437] : memref<8x128x64xf32, #tpu.memory_space<vmem>> -> memref<1x128x64xf32, #tpu.memory_space<vmem>>
    %dma_wait3A_439 = tpu.memref_squeeze %dma_wait3A_438 : memref<1x128x64xf32, #tpu.memory_space<vmem>> -> memref<128x64xf32, #tpu.memory_space<vmem>>
    tpu.wait_dma2 semaphore(%arg22 : memref<!tpu.dma_semaphore, #tpu.memory_space<semaphore_mem>>) src(%dma_wait3A_439 : memref<128x64xf32, #tpu.memory_space<vmem>>) dst(%dma_wait3A_435 : memref<128x64xf32, #tpu.memory_space<hbm>>)
    return
  }
}

</mosaic_0001>

<sc_bundles>
// kernel: kernel.3.cloned.1.call-start
scs
__scs_entry_jumppad:
0x0: {  	(pc) =	sbr.rel $0x88, $3  }
0x1: {  	(tag) =	ssettag $0x0;
	lr =	simm.s32 $0x1  }
0x2: {  	[smem:$0x3F9F] =	sst lr;
	_ =	strace $0xD0000000  }
0x3: {  	_ = 	snop  }
0x4: {  	_ = 	snop  }
0x5: {  	_ = 	snop  }
0x6: {  	_ = 	snop  }
0x7: {  	_ = 	snop  }
__scs_overlays_trampoline_lowered:
0x8: {  	[smem:$0x3FAE] =	sst s0  }
0x9: {  	[smem:$0x3FAF] =	sst s1  }
0xa: {  	[smem:$0x3FB0] =	sst s2  }
0xb: {  	[smem:$0x3FB1] =	sst s3  }
0xc: {  	[smem:$0x3FB2] =	sst s4  }
0xd: {  	[smem:$0x3FB3] =	sst s5  }
0xe: {  	[smem:$0x3FB4] =	sst s6  }
0xf: {  	[smem:$0x3FB5] =	sst s7  }
0x10: {  	[smem:$0x3FB6] =	sst s8  }
0x11: {  	[smem:$0x3FB7] =	sst s9;
	s0 =	simm.s32 @!p0 $0x0  }
0x12: {  	s1 =	sld [smem:$0x3F9D];
	s0 =	simm.s32 @p0 $0x1  }
0x13: {  	[smem:$0x3FB8] =	sst s0;
	s0 =	simm.s32 @!p1 $0x0  }
0x14: {  	s2 =	sld [smem:$0x3F9C];
	s0 =	simm.s32 @p1 $0x1  }
0x15: {  	[smem:$0x3FB9] =	sst s0;
	s0 =	simm.s32 @!p2 $0x0  }
0x16: {  	s3 =	sld [smem:$0x3FDB];
	s0 =	simm.s32 @p2 $0x1  }
0x17: {  	s4 =	simm.s32 $0x1BF5;
	[smem:$0x3FBB] =	sst s0  }
0x18: {  	s0 =	sld [smem:$0x3F9E];
	_ =	swait.ge [sflag:s4], $0x0  }
0x19: {  	s7 =	sld [smem:$0x3F9F]  }
0x1a: {  	s8 =	sadd.s32 $0xFFFFE003, lr  }
0x1b: {  	s9 =	sadd.s32 $0xFFFFFEF7, lr;
	s5 =	simm.s32 $0xFFFFFFFF;
	p2 =	slt.u32 s8, $0xFFFFF086  }
0x1c: {  	p1 =	slt.u32 s9, $0xF7A;
	s5 =	simm.s32 @!p2 $0x0  }
0x1d: {  	s5 =	simm.s32 @p1 $0x1;
	p0 =	seq.s32 s7, s2  }
0x1e: {  	s7 =	smul.u32 @!p0 $0xF7A, s2;
	p2 =	seq.s32 @!p0 s5, $0x0  }
0x1f: {  	s9 =	smul.u32 $0xF7A, s1;
	s8 =	simm.s32 @!p0 $0x1BF5;
	p2 =	por !p2, p0  }
0x20: {  	[sflag:s8] =	ssyncset.s32 @!p0 $0xFFFFF086;
	s6 =	sadd.s32 @!p0 s3, s7;
	s7 =	simm.s32 @!p0 $0x108  }
0x21: {  	s3 =	sadd.s32 s3, s9;
	s6 =	sadd.s32 @!p0 $0x88, s6;
	s7 =	simm.s32 @p2 $0x1082  }
0x22: {  	[simem:s7], [sflag:s8] =	dma.local @!p0 [hbm:s6], $0xF7A  }
0x23: {  	s9 =	sor.u32 $0xD0000000, s2;
	s6 =	simm.s32 $0x108;
	_ =	swait.ge @!p0 [sflag:s8], $0x0  }
0x24: {  	s3 =	sadd.s32 $0x88, s3;
	s6 =	simm.s32 @!p1 $0x1082;
	[sflag:s4] =	ssyncset.s32 $0xFFFFF086  }
0x25: {  	[simem:s6], [sflag:s4] =	dma.local [hbm:s3], $0xF7A  }
0x26: {  	[smem:$0x3F9F] =	sst s1;
	(tag) =	ssettag s2;
	_ =	strace s9  }
0x27: {  	s1 =	sld [smem:$0x3FAF]  }
0x28: {  	s2 =	sld [smem:$0x3FB0]  }
0x29: {  	s4 =	sld [smem:$0x3FB2]  }
0x2a: {  	p0 =	seq.s32 s5, $0x0;
	s5 =	sld [smem:$0x3FB3]  }
0x2b: {  	s6 =	sld [smem:$0x3FB4]  }
0x2c: {  	s7 =	sld [smem:$0x3FB5]  }
0x2d: {  	s3 =	simm.s32 $0x108;
	s8 =	sld [smem:$0x3FB6]  }
0x2e: {  	s3 =	simm.s32 @!p0 $0x1082;
	s9 =	sld [smem:$0x3FB7]  }
0x2f: {  	lr =	sadd.s32 s0, s3;
	s0 =	sld [smem:$0x3FAE]  }
0x30: {  	s3 =	sld [smem:$0x3FB1]  }
0x31: {  	[smem:$0x3FBA] =	sst s10  }
0x32: {  	s10 =	sld [smem:$0x3FB8];
	_ =	sdelay $0x3  }
0x33: {  	p0 =	seq.s32 s10, $0x1;
	s10 =	sld [smem:$0x3FBA];
	_ =	sdelay $0x3  }
0x34: {  	[smem:$0x3FBA] =	sst s10  }
0x35: {  	s10 =	sld [smem:$0x3FB9];
	_ =	sdelay $0x3  }
0x36: {  	p1 =	seq.s32 s10, $0x1;
	s10 =	sld [smem:$0x3FBA];
	_ =	sdelay $0x3  }
0x37: {  	[smem:$0x3FBA] =	sst s10  }
0x38: {  	s10 =	sld [smem:$0x3FBB]  }
0x39: {  	_ = 	snop;
	(pc) =	sbr.ind lr, $3  }
0x3a: {  	_ = 	snop  }
0x3b: {  	_ = 	snop  }
0x3c: {  	p2 =	seq.s32 s10, $0x1;
	s10 =	sld [smem:$0x3FBA]  }
0x3d: {  	_ =	shalt  }
0x3e: {  	_ =	shalt  }
0x3f: {  	_ =	shalt  }
0x40: {  	_ =	shalt  }
0x41: {  	_ =	shalt  }
0x42: {  	_ =	shalt  }
0x43: {  	_ =	shalt  }
0x44: {  	_ =	shalt  }
0x45: {  	_ =	shalt  }
0x46: {  	_ =	shalt  }
0x47: {  	_ =	shalt  }
0x48: {  	_ =	shalt  }
0x49: {  	_ =	shalt  }
0x4a: {  	_ =	shalt  }
0x4b: {  	_ =	shalt  }
0x4c: {  	_ =	shalt  }
0x4d: {  	_ =	shalt  }
0x4e: {  	_ =	shalt  }
0x4f: {  	_ =	shalt  }
0x50: {  	_ =	shalt  }
0x51: {  	_ =	shalt  }
0x52: {  	_ =	shalt  }
0x53: {  	_ =	shalt  }
0x54: {  	_ =	shalt  }
0x55: {  	_ =	shalt  }
0x56: {  	_ =	shalt  }
0x57: {  	_ =	shalt  }
0x58: {  	_ =	shalt  }
0x59: {  	_ =	shalt  }
0x5a: {  	_ =	shalt  }
0x5b: {  	_ =	shalt  }
0x5c: {  	_ =	shalt  }
0x5d: {  	_ =	shalt  }
0x5e: {  	_ =	shalt  }
0x5f: {  	_ =	shalt  }
0x60: {  	_ =	shalt  }
0x61: {  	_ =	shalt  }
0x62: {  	_ =	shalt  }
0x63: {  	_ =	shalt  }
0x64: {  	_ =	shalt  }
0x65: {  	_ =	shalt  }
0x66: {  	_ =	shalt  }
0x67: {  	_ =	shalt  }
0x68: {  	_ =	shalt  }
0x69: {  	_ =	shalt  }
0x6a: {  	_ =	shalt  }
0x6b: {  	_ =	shalt  }
0x6c: {  	_ =	shalt  }
0x6d: {  	_ =	shalt  }
0x6e: {  	_ =	shalt  }
0x6f: {  	_ =	shalt  }
0x70: {  	_ =	shalt  }
0x71: {  	_ =	shalt  }
0x72: {  	_ =	shalt  }
0x73: {  	_ =	shalt  }
0x74: {  	_ =	shalt  }
0x75: {  	_ =	shalt  }
0x76: {  	_ =	shalt  }
0x77: {  	_ =	shalt  }
0x78: {  	_ =	shalt  }
0x79: {  	_ =	shalt  }
0x7a: {  	_ =	shalt  }
0x7b: {  	_ =	shalt  }
0x7c: {  	_ =	shalt  }
0x7d: {  	_ =	shalt  }
0x7e: {  	_ =	shalt  }
0x7f: {  	_ =	shalt  }
0x80: {  	_ =	shalt  }
0x81: {  	_ =	shalt  }
0x82: {  	_ =	shalt  }
0x83: {  	_ =	shalt  }
0x84: {  	_ =	shalt  }
0x85: {  	_ =	shalt  }
0x86: {  	_ =	shalt  }
0x87: {  	_ =	shalt  }
.Lfunc_end0:
.L_simem_size_0:
called_computation.1_lowered:
.L_overlay_start_0:
0x88: {  	s2 =	sld [smem:$0x3FD9]  }
0x89: {  	s3 =	sld [smem:$0x3FFE];
	_ =	sdelay $0x1  }
0x8a: {  	s1 =	srdreg.scid  }
0x8b: {  	s0 =	sand.u32 $0x1, s1  }
0x8c: {  	s17 =	sshll.u32 s0, $0xA;
	s2 =	sadd.s32 s3, s2  }
0x8d: {  	s2 =	sadd.s32 s2, s17  }
0x8e: {  	[smem:$0x3FC6] =	sst s2  }
0x8f: {  	_ = 	snop  }
0x90: {  	s2 =	sld [smem:$0x3FD0];
	(tm) =	ssettm $0x1  }
0x91: {  	s18 =	sld [smem:$0x3FFB];
	_ =	sdelay $0x3  }
0x92: {  	_ =	strace s18  }
0x93: {  	s3 =	sld [smem:$0x3FFC];
	_ =	sdelay $0x3  }
0x94: {  	_ =	strace s3  }
0x95: {  	s3 =	sld [smem:$0x3FFD];
	_ =	sdelay $0x3  }
0x96: {  	_ =	strace s3  }
0x97: {  	_ =	strace $0x8FFFFFFF  }
0x98: {  	s19 =	sld [smem:$0x3FDB];
	_ =	sdelay $0x1  }
0x99: {  	s4 =	simm.s32 $_scs_section_size  }
0x9a: {  	s5 =	simm.s32 $_size__tile_overlayer_lowered;
	s6 =	simm.s32 $_tile_overlayer_lowered  }
0x9b: {  	s22 =	simm.s32 $0x1BFF;
	s21 =	sshll.u32 s6, $0x1;
	s3 =	sadd.s32 s4, s19  }
0x9c: {  	s7 =	simm.s32 $0x0;
	s20 =	sshll.u32 s5, $0x1;
	s5 =	sadd.s32 s21, s3  }
0x9d: {  	[timem:s7], [sflag:s22] =	dma.local [hbm:s5], s20  }
0x9e: {  	_ =	swait.ge [sflag:s22], s20  }
0x9f: {  	s4 =	ssub.s32 $0x0, s20;
	[sflag:s22] =	ssyncset.done $0x0  }
0xa0: {  	[sflag:s22] =	ssyncadd.s32 s4;
	_ =	sdelay $0x1  }
0xa1: {  	s23 =	simm.s32 $0x1B8B  }
0xa2: {  	_ =	swait.ge [sflag:s23], $0x1  }
0xa3: {  	[sflag:s23] =	ssyncset.done $0x0  }
0xa4: {  	s25 =	simm.s32 $0x1B8E;
	s24 =	sld [smem:$0x3FFE];
	[sflag:s23] =	ssyncadd.s32 $0xFFFFFFFF  }
0xa5: {  	s26 =	simm.s32 $execute0_lowered;
	[smem:$0x3FD2] =	sst s25  }
0xa6: {  	s5 =	sshll.u32 s26, $0x1;
	_ =	strace $0x80000046;
	[dreg:$0x1] =	wrdreg $0xFFFFFFFF  }
0xa7: {  	s28 =	simm.s32 $_size_execute0_lowered;
	s3 =	sadd.s32 s3, s5;
	[dreg:$0x0] =	wrdreg $0x0  }
0xa8: {  	s5 =	sshll.u32 s28, $0x1;
	[dreg:$0x2] =	wrdreg s3  }
0xa9: {  	[dreg:$0x3] =	wrdreg s5  }
0xaa: {  	[dreg:$0x4] =	wrdreg $0xC0  }
0xab: {  	_ =	task [dreg:s7], $0x5FFFF  }
0xac: {  	[dreg:$0x1] =	wrdreg $0xFFFFFFFF  }
0xad: {  	[dreg:$0x0] =	wrdreg $0x60  }
0xae: {  	[dreg:$0x2] =	wrdreg s24  }
0xaf: {  	[dreg:$0x3] =	wrdreg s2  }
0xb0: {  	[dreg:$0x4] =	wrdreg $0x9  }
0xb1: {  	_ =	task.clear_ibuf [dreg:s7], $0x5FFFF;
	_ =	strace $0x90000046  }
0xb2: {  	s29 =	simm.s32 $0x9;
	_ =	strace $0x80000048  }
0xb3: {  	_ =	swait.ge [sflag:s29], $0x1  }
0xb4: {  	[sflag:s29] =	ssyncadd.s32 $0xFFFFFFFF  }
0xb5: {  	_ =	strace $0x90000048  }
0xb6: {  	_ =	sfence  }
0xb7: {  	s30 =	sld [smem:$0x0];
	_ =	sdelay $0x2  }
0xb8: {  	s31 =	sshll.u32 s1, $0xD;
	s1 =	sshrl.u32 s1, $0x2  }
0xb9: {  	s3 =	sand.u32 $0x4000, s31;
	s1 =	sadd.s32 s1, s30  }
0xba: {  	s0 =	sor.u32 s3, s0;
	s1 =	sshll.u32 s1, $0x11  }
0xbb: {  	s0 =	sor.u32 s1, s0  }
0xbc: {  	s0 =	sadd.s32 $0x8F2B, s0  }
0xbd: {  	[sflag:s0] =	ssyncadd.remote.s32 $0x1  }
0xbe: {  	_ =	sfence.sel $0xFFFF  }
0xbf: {  	[dreg:$0x0] =	wrdreg $0xFFFFFFFF;
	(pc) =	sbr.abs _section_cstart, $3  }
0xc0: {  	[dreg:$0x1] =	wrdreg $0xFFFFFFFF  }
0xc1: {  	_ =	task.clear_ibuf [dreg:s7], $0x2FFFF;
	_ =	strace $0x9FFFFFFF  }
0xc2: {  	(tm) =	ssettm $0x7FFFFFFF  }
0xc3: {  	_ =	shalt  }
tec
execute0_lowered:
.L_overlay_start_1:
0x0: {  	(tag) =	ssettag $0x1  }
0x1: {  	s9 =	stileid.u32  }
0x2: {  	s0 =	srdreg.scid;
	s6 =	smul.u32 $0x320000, s9  }
0x3: {  	s0 =	sand.u32 $0x1, s0;
	s1 =	sshll.u32 s9, $0x1;
	s9 =	smul.u32 $0xC800, s9  }
0x4: {  	s3 =	rddreg [dreg:$0x0];
	s7 =	smul.u32 $0x190000, s0  }
0x5: {  	s1 =	sor.u32 s0, s1;
	s8 =	ssub.s32 $0x2, s0;
	s0 =	smul.u32 $0x6400, s0  }
0x6: {  	s4 =	rddreg [dreg:$0x1];
	s2 =	simm.s32 $0x0;
	s5 =	smul.u32 $0xC80, s1  }
0x7: {  	[smem:$0x7FF] =	sst s2;
	s10 =	sshrl.u32 s8, $0x1;
	s1 =	smul.u32 $0x190000, s1  }
0x8: {  	_ =	strace $0x80000047;
	s8 =	ssub.s32 s8, s10;
	s0 =	sadd.s32 s0, s9  }
0x9: {  	s5 =	sadd.s32 s5, s3;
	s1 =	sshrl.u32 s1, $0x3;
	s28 =	smax.u32 s8, $0x1  }
0xa: {  	s5 =	sadd.s32 $0xA00, s5;
	s1 =	sadd.s32 s4, s1;
	[dreg:$0x14] =	wrdreg s28  }
0xb: {  	s0 =	sshll.u32 s0, $0x3;
	[dreg:$0xb] =	wrdreg s5;
	s14 =	sadd.s32 $0x30000, s1  }
0xc: {  	s0 =	sadd.s32 s0, s4;
	s16 =	sadd.s32 $0x30400, s1;
	[dreg:$0xc] =	wrdreg s14  }
0xd: {  	s29 =	simm.s32 $0x9;
	s15 =	sadd.s32 $0x1C00, s0;
	[dreg:$0xd] =	wrdreg s16  }
0xe: {  	s12 =	simm.s32 $0x0;
	s18 =	sadd.s32 $0x30800, s1;
	[dreg:$0x4] =	wrdreg s15  }
0xf: {  	s31 =	simm.s32 $0x14400;
	s17 =	sadd.s32 $0x1800, s0;
	[dreg:$0xe] =	wrdreg s18  }
0x10: {  	s30 =	simm.s32 $0x12400;
	s20 =	sadd.s32 $0x30C00, s1;
	[dreg:$0x5] =	wrdreg s17  }
0x11: {  	s13 =	sadd.s32 s7, s6;
	s19 =	sadd.s32 $0x1400, s0;
	[dreg:$0xf] =	wrdreg s20  }
0x12: {  	s6 =	simm.s32 $0xC;
	s22 =	sadd.s32 $0x31000, s1;
	[dreg:$0x6] =	wrdreg s19  }
0x13: {  	s7 =	simm.s32 $0xD;
	s21 =	sadd.s32 $0x1000, s0;
	[dreg:$0x10] =	wrdreg s22  }
0x14: {  	s9 =	simm.s32 $0xF;
	s24 =	sadd.s32 $0x31400, s1;
	[dreg:$0x7] =	wrdreg s21  }
0x15: {  	s10 =	simm.s32 $0x10;
	s23 =	sadd.s32 $0xC00, s0;
	[dreg:$0x11] =	wrdreg s24  }
0x16: {  	s3 =	sadd.s32 $0xF42E00, s3;
	s26 =	sadd.s32 $0x31800, s1;
	[dreg:$0x8] =	wrdreg s23  }
0x17: {  	s8 =	simm.s32 $0xE;
	s25 =	sadd.s32 $0x800, s0;
	[dreg:$0x12] =	wrdreg s26  }
0x18: {  	s5 =	sshrl.u32 s13, $0x3;
	s1 =	sadd.s32 $0x31C00, s1;
	[dreg:$0x9] =	wrdreg s25  }
0x19: {  	s0 =	sadd.s32 $0x400, s0;
	s5 =	sadd.s32 s5, s4;
	[dreg:$0x13] =	wrdreg s1  }
0x1a: {  	[dreg:$0xa] =	wrdreg s0;
	s15 =	simm.s32 $0x80;
	s1 =	simm.s32 $0x2  }
0x1b: {  	s0 =	simm.s32 $0x3;
	s18 =	simm.s32 $0x4;
	s20 =	simm.s32 $0x5  }
0x1c: {  	s22 =	simm.s32 $0x6;
	s24 =	simm.s32 $0x7;
	s26 =	simm.s32 $0x8  }
0x1d: {  	s4 =	simm.s32 $0xA;
	[dreg:$0x3] =	wrdreg s5;
	s5 =	simm.s32 $0xB  }
.LBB2_1:
0x1e: {  	[dreg:$0x15] =	wrdreg s12  }
0x1f: {  	s11 =	rddreg [dreg:$0xb];
	s14 =	simm.s32 $0x11  }
0x20: {  	[tilespmem:s2], [sflag:$0x11] =	stream.linear.gather [hbm4b:s11+s2], $0x6400, $0x38;
	[tilespmem:$0x16400] =	vst v63  }
0x21: {  	_ =	swait.ge [sflag:s14], $0x6400  }
0x22: {  	[sflag:s14] =	ssyncset.done $0x0  }
0x23: {  	s12 =	simm.s32 $0x6400;
	[sflag:s14] =	ssyncadd.s32 $0xFFFF9C00  }
0x24: {  	[tilespmem:s12], [sflag:$0x1] =	stream.indirect.gather [hbm4b:s3+s15], $0x40, s2, s15, $0xb8;
	[tilespmem:$0x16400] =	vst v63  }
0x25: {  	s13 =	simm.s32 $0x8400  }
0x26: {  	[tilespmem:s13], [sflag:$0x2] =	stream.indirect.gather [hbm4b:s3+s15], $0x40, s15, s15, $0xb8;
	[tilespmem:$0x16400] =	vst v63  }
0x27: {  	s16 =	simm.s32 $0x100;
	s14 =	simm.s32 $0xA400  }
0x28: {  	[tilespmem:s14], [sflag:$0x3] =	stream.indirect.gather [hbm4b:s3+s15], $0x40, s16, s15, $0xb8;
	[tilespmem:$0x16400] =	vst v63  }
0x29: {  	s17 =	simm.s32 $0x180;
	s16 =	simm.s32 $0xC400  }
0x2a: {  	[tilespmem:s16], [sflag:$0x4] =	stream.indirect.gather [hbm4b:s3+s15], $0x40, s17, s15, $0xb8;
	[tilespmem:$0x16400] =	vst v63  }
0x2b: {  	s19 =	simm.s32 $0x200;
	s17 =	simm.s32 $0xE400  }
0x2c: {  	[tilespmem:s17], [sflag:$0x5] =	stream.indirect.gather [hbm4b:s3+s15], $0x40, s19, s15, $0xb8;
	[tilespmem:$0x16400] =	vst v63  }
0x2d: {  	s21 =	simm.s32 $0x280;
	s19 =	simm.s32 $0x10400  }
0x2e: {  	[tilespmem:s19], [sflag:$0x6] =	stream.indirect.gather [hbm4b:s3+s15], $0x40, s21, s15, $0xb8;
	[tilespmem:$0x16400] =	vst v63  }
0x2f: {  	s23 =	simm.s32 $0x300;
	s21 =	simm.s32 $0x12400  }
0x30: {  	[tilespmem:s21], [sflag:$0x7] =	stream.indirect.gather [hbm4b:s3+s15], $0x40, s23, s15, $0xb8;
	[tilespmem:$0x16400] =	vst v63  }
0x31: {  	s25 =	simm.s32 $0x380;
	s23 =	simm.s32 $0x14400  }
0x32: {  	[tilespmem:s23], [sflag:$0x8] =	stream.indirect.gather [hbm4b:s3+s15], $0x40, s25, s15, $0xb8;
	[tilespmem:$0x16400] =	vst v63  }
0x33: {  	s25 =	simm.s32 $0x1  }
0x34: {  	_ =	swait.ge [sflag:s25], $0x2000  }
0x35: {  	s28 =	rddreg [dreg:$0x3];
	[sflag:s25] =	ssyncset.done $0x0  }
0x36: {  	[sflag:s25] =	ssyncadd.s32 $0xFFFFE000;
	s11 =	sadd.s32 $0x0, s28  }
0x37: {  	[hbm4b:s11+s2] =	stream.linear.scatter [tilespmem:s12], [sflag:$0x9], $0x2000, $0x38;
	[tilespmem:$0x16400] =	vst v63  }
0x38: {  	_ =	swait.ge [sflag:s1], $0x2000  }
0x39: {  	s25 =	rddreg [dreg:$0xa];
	[sflag:s1] =	ssyncset.done $0x0  }
0x3a: {  	[sflag:s1] =	ssyncadd.s32 $0xFFFFE000;
	s11 =	sadd.s32 $0x0, s25  }
0x3b: {  	[hbm4b:s11+s2] =	stream.linear.scatter [tilespmem:s13], [sflag:$0xA], $0x2000, $0x38;
	[tilespmem:$0x16400] =	vst v63  }
0x3c: {  	_ =	swait.ge [sflag:s0], $0x2000  }
0x3d: {  	s28 =	rddreg [dreg:$0x9];
	[sflag:s0] =	ssyncset.done $0x0  }
0x3e: {  	[sflag:s0] =	ssyncadd.s32 $0xFFFFE000;
	s11 =	sadd.s32 $0x0, s28  }
0x3f: {  	[hbm4b:s11+s2] =	stream.linear.scatter [tilespmem:s14], [sflag:$0xB], $0x2000, $0x38;
	[tilespmem:$0x16400] =	vst v63  }
0x40: {  	_ =	swait.ge [sflag:s18], $0x2000  }
0x41: {  	s25 =	rddreg [dreg:$0x8];
	[sflag:s18] =	ssyncset.done $0x0  }
0x42: {  	[sflag:s18] =	ssyncadd.s32 $0xFFFFE000;
	s11 =	sadd.s32 $0x0, s25  }
0x43: {  	[hbm4b:s11+s2] =	stream.linear.scatter [tilespmem:s16], [sflag:$0xC], $0x2000, $0x38;
	[tilespmem:$0x16400] =	vst v63  }
0x44: {  	_ =	swait.ge [sflag:s20], $0x2000  }
0x45: {  	s28 =	rddreg [dreg:$0x7];
	[sflag:s20] =	ssyncset.done $0x0  }
0x46: {  	[sflag:s20] =	ssyncadd.s32 $0xFFFFE000;
	s11 =	sadd.s32 $0x0, s28  }
0x47: {  	[hbm4b:s11+s2] =	stream.linear.scatter [tilespmem:s17], [sflag:$0xD], $0x2000, $0x38;
	[tilespmem:$0x16400] =	vst v63  }
0x48: {  	_ =	swait.ge [sflag:s22], $0x2000  }
0x49: {  	s25 =	rddreg [dreg:$0x6];
	[sflag:s22] =	ssyncset.done $0x0  }
0x4a: {  	[sflag:s22] =	ssyncadd.s32 $0xFFFFE000;
	s11 =	sadd.s32 $0x0, s25  }
0x4b: {  	[hbm4b:s11+s2] =	stream.linear.scatter [tilespmem:s19], [sflag:$0xE], $0x2000, $0x38;
	[tilespmem:$0x16400] =	vst v63  }
0x4c: {  	_ =	swait.ge [sflag:s24], $0x2000  }
0x4d: {  	s28 =	rddreg [dreg:$0x5];
	[sflag:s24] =	ssyncset.done $0x0  }
0x4e: {  	[sflag:s24] =	ssyncadd.s32 $0xFFFFE000;
	s11 =	sadd.s32 $0x0, s28  }
0x4f: {  	[hbm4b:s11+s2] =	stream.linear.scatter [tilespmem:s21], [sflag:$0xF], $0x2000, $0x38;
	[tilespmem:$0x16400] =	vst v63  }
0x50: {  	_ =	swait.ge [sflag:s26], $0x2000  }
0x51: {  	s25 =	rddreg [dreg:$0x4];
	[sflag:s26] =	ssyncset.done $0x0  }
0x52: {  	[sflag:s26] =	ssyncadd.s32 $0xFFFFE000;
	s11 =	sadd.s32 $0x0, s25  }
0x53: {  	[hbm4b:s11+s2] =	stream.linear.scatter [tilespmem:s23], [sflag:$0x10], $0x2000, $0x38;
	[tilespmem:$0x16400] =	vst v63  }
0x54: {  	_ =	swait.ge [sflag:s29], $0x2000  }
0x55: {  	[sflag:s29] =	ssyncset.done $0x0  }
0x56: {  	s28 =	simm.s32 $0x400;
	[sflag:s29] =	ssyncadd.s32 $0xFFFFE000  }
0x57: {  	[tilespmem:s12], [sflag:$0x1] =	stream.indirect.gather [hbm4b:s3+s15], $0x40, s28, s15, $0xb8;
	[tilespmem:$0x16400] =	vst v63  }
0x58: {  	_ =	swait.ge [sflag:s4], $0x2000  }
0x59: {  	[sflag:s4] =	ssyncset.done $0x0  }
0x5a: {  	s12 =	simm.s32 $0x480;
	[sflag:s4] =	ssyncadd.s32 $0xFFFFE000  }
0x5b: {  	[tilespmem:s13], [sflag:$0x2] =	stream.indirect.gather [hbm4b:s3+s15], $0x40, s12, s15, $0xb8;
	[tilespmem:$0x16400] =	vst v63  }
0x5c: {  	_ =	swait.ge [sflag:s5], $0x2000  }
0x5d: {  	[sflag:s5] =	ssyncset.done $0x0  }
0x5e: {  	s13 =	simm.s32 $0x500;
	[sflag:s5] =	ssyncadd.s32 $0xFFFFE000  }
0x5f: {  	[tilespmem:s14], [sflag:$0x3] =	stream.indirect.gather [hbm4b:s3+s15], $0x40, s13, s15, $0xb8;
	[tilespmem:$0x16400] =	vst v63  }
0x60: {  	_ =	swait.ge [sflag:s6], $0x2000  }
0x61: {  	[sflag:s6] =	ssyncset.done $0x0  }
0x62: {  	s14 =	simm.s32 $0x580;
	[sflag:s6] =	ssyncadd.s32 $0xFFFFE000  }
0x63: {  	[tilespmem:s16], [sflag:$0x4] =	stream.indirect.gather [hbm4b:s3+s15], $0x40, s14, s15, $0xb8;
	[tilespmem:$0x16400] =	vst v63  }
0x64: {  	_ =	swait.ge [sflag:s7], $0x2000  }
0x65: {  	[sflag:s7] =	ssyncset.done $0x0  }
0x66: {  	s23 =	simm.s32 $0x600;
	[sflag:s7] =	ssyncadd.s32 $0xFFFFE000  }
0x67: {  	[tilespmem:s17], [sflag:$0x5] =	stream.indirect.gather [hbm4b:s3+s15], $0x40, s23, s15, $0xb8;
	[tilespmem:$0x16400] =	vst v63  }
0x68: {  	_ =	swait.ge [sflag:s8], $0x2000  }
0x69: {  	[sflag:s8] =	ssyncset.done $0x0  }
0x6a: {  	s25 =	simm.s32 $0x680;
	[sflag:s8] =	ssyncadd.s32 $0xFFFFE000  }
0x6b: {  	[tilespmem:s19], [sflag:$0x6] =	stream.indirect.gather [hbm4b:s3+s15], $0x40, s25, s15, $0xb8;
	[tilespmem:$0x16400] =	vst v63  }
0x6c: {  	_ =	swait.ge [sflag:s9], $0x2000  }
0x6d: {  	[sflag:s9] =	ssyncset.done $0x0  }
0x6e: {  	s28 =	simm.s32 $0x700;
	[sflag:s9] =	ssyncadd.s32 $0xFFFFE000  }
0x6f: {  	[tilespmem:s21], [sflag:$0x7] =	stream.indirect.gather [hbm4b:s3+s15], $0x40, s28, s15, $0xb8;
	[tilespmem:$0x16400] =	vst v63  }
0x70: {  	_ =	swait.ge [sflag:s10], $0x2000  }
0x71: {  	s12 =	simm.s32 $0x780;
	[sflag:s10] =	ssyncset.done $0x0  }
0x72: {  	s13 =	simm.s32 $0x2000;
	s14 =	simm.s32 $0xB80;
	[sflag:s10] =	ssyncadd.s32 $0xFFFFE000  }
.LBB2_2:
0x73: {  	[tilespmem:s31], [sflag:$0x8] =	stream.indirect.gather [hbm4b:s3+s15], $0x40, s12, s15, $0xb8;
	[tilespmem:$0x16400] =	vst v63  }
0x74: {  	s17 =	simm.s32 $0x1  }
0x75: {  	_ =	swait.ge [sflag:s17], $0x2000  }
0x76: {  	s11 =	smov.u32 s13;
	s16 =	rddreg [dreg:$0x3];
	[sflag:s17] =	ssyncset.done $0x0  }
0x77: {  	[sflag:s17] =	ssyncadd.s32 $0xFFFFE000;
	s16 =	sadd.s32 s11, s16;
	s17 =	simm.s32 $0x6400  }
0x78: {  	[hbm4b:s16+s2] =	stream.linear.scatter [tilespmem:s17], [sflag:$0x9], $0x2000, $0x38;
	[tilespmem:$0x16400] =	vst v63  }
0x79: {  	_ =	swait.ge [sflag:s1], $0x2000  }
0x7a: {  	s19 =	rddreg [dreg:$0xa];
	[sflag:s1] =	ssyncset.done $0x0  }
0x7b: {  	[sflag:s1] =	ssyncadd.s32 $0xFFFFE000;
	s16 =	sadd.s32 s11, s19;
	s19 =	simm.s32 $0x8400  }
0x7c: {  	[hbm4b:s16+s2] =	stream.linear.scatter [tilespmem:s19], [sflag:$0xA], $0x2000, $0x38;
	[tilespmem:$0x16400] =	vst v63  }
0x7d: {  	_ =	swait.ge [sflag:s0], $0x2000  }
0x7e: {  	s21 =	rddreg [dreg:$0x9];
	[sflag:s0] =	ssyncset.done $0x0  }
0x7f: {  	[sflag:s0] =	ssyncadd.s32 $0xFFFFE000;
	s16 =	sadd.s32 s11, s21;
	s21 =	simm.s32 $0xA400  }
0x80: {  	[hbm4b:s16+s2] =	stream.linear.scatter [tilespmem:s21], [sflag:$0xB], $0x2000, $0x38;
	[tilespmem:$0x16400] =	vst v63  }
0x81: {  	_ =	swait.ge [sflag:s18], $0x2000  }
0x82: {  	s23 =	rddreg [dreg:$0x8];
	[sflag:s18] =	ssyncset.done $0x0  }
0x83: {  	[sflag:s18] =	ssyncadd.s32 $0xFFFFE000;
	s16 =	sadd.s32 s11, s23;
	s23 =	simm.s32 $0xC400  }
0x84: {  	[hbm4b:s16+s2] =	stream.linear.scatter [tilespmem:s23], [sflag:$0xC], $0x2000, $0x38;
	[tilespmem:$0x16400] =	vst v63  }
0x85: {  	_ =	swait.ge [sflag:s20], $0x2000  }
0x86: {  	s25 =	rddreg [dreg:$0x7];
	[sflag:s20] =	ssyncset.done $0x0  }
0x87: {  	[sflag:s20] =	ssyncadd.s32 $0xFFFFE000;
	s16 =	sadd.s32 s11, s25;
	s25 =	simm.s32 $0xE400  }
0x88: {  	[hbm4b:s16+s2] =	stream.linear.scatter [tilespmem:s25], [sflag:$0xD], $0x2000, $0x38;
	[tilespmem:$0x16400] =	vst v63  }
0x89: {  	_ =	swait.ge [sflag:s22], $0x2000  }
0x8a: {  	s16 =	rddreg [dreg:$0x6];
	[sflag:s22] =	ssyncset.done $0x0  }
0x8b: {  	s28 =	simm.s32 $0x10400;
	[sflag:s22] =	ssyncadd.s32 $0xFFFFE000;
	s16 =	sadd.s32 s11, s16  }
0x8c: {  	[hbm4b:s16+s2] =	stream.linear.scatter [tilespmem:s28], [sflag:$0xE], $0x2000, $0x38;
	[tilespmem:$0x16400] =	vst v63  }
0x8d: {  	_ =	swait.ge [sflag:s24], $0x2000  }
0x8e: {  	s16 =	rddreg [dreg:$0x5];
	[sflag:s24] =	ssyncset.done $0x0  }
0x8f: {  	[sflag:s24] =	ssyncadd.s32 $0xFFFFE000;
	s16 =	sadd.s32 s11, s16  }
0x90: {  	[hbm4b:s16+s2] =	stream.linear.scatter [tilespmem:s30], [sflag:$0xF], $0x2000, $0x38;
	[tilespmem:$0x16400] =	vst v63  }
0x91: {  	_ =	swait.ge [sflag:s26], $0x2000  }
0x92: {  	s16 =	rddreg [dreg:$0x4];
	[sflag:s26] =	ssyncset.done $0x0  }
0x93: {  	[sflag:s26] =	ssyncadd.s32 $0xFFFFE000;
	s11 =	sadd.s32 s11, s16  }
0x94: {  	[hbm4b:s11+s2] =	stream.linear.scatter [tilespmem:s31], [sflag:$0x10], $0x2000, $0x38;
	[tilespmem:$0x16400] =	vst v63  }
0x95: {  	_ =	swait.ge [sflag:s29], $0x2000  }
0x96: {  	[sflag:s29] =	ssyncset.done $0x0  }
0x97: {  	s11 =	sadd.s32 $0xFFFFFC80, s14;
	[sflag:s29] =	ssyncadd.s32 $0xFFFFE000  }
0x98: {  	[tilespmem:s17], [sflag:$0x1] =	stream.indirect.gather [hbm4b:s3+s15], $0x40, s11, s15, $0xb8;
	[tilespmem:$0x16400] =	vst v63  }
0x99: {  	_ =	swait.ge [sflag:s4], $0x2000  }
0x9a: {  	[sflag:s4] =	ssyncset.done $0x0  }
0x9b: {  	s11 =	sadd.s32 $0xFFFFFD00, s14;
	[sflag:s4] =	ssyncadd.s32 $0xFFFFE000  }
0x9c: {  	[tilespmem:s19], [sflag:$0x2] =	stream.indirect.gather [hbm4b:s3+s15], $0x40, s11, s15, $0xb8;
	[tilespmem:$0x16400] =	vst v63  }
0x9d: {  	_ =	swait.ge [sflag:s5], $0x2000  }
0x9e: {  	[sflag:s5] =	ssyncset.done $0x0  }
0x9f: {  	s11 =	sadd.s32 $0xFFFFFD80, s14;
	[sflag:s5] =	ssyncadd.s32 $0xFFFFE000  }
0xa0: {  	[tilespmem:s21], [sflag:$0x3] =	stream.indirect.gather [hbm4b:s3+s15], $0x40, s11, s15, $0xb8;
	[tilespmem:$0x16400] =	vst v63  }
0xa1: {  	_ =	swait.ge [sflag:s6], $0x2000  }
0xa2: {  	[sflag:s6] =	ssyncset.done $0x0  }
0xa3: {  	s11 =	sadd.s32 $0xFFFFFE00, s14;
	[sflag:s6] =	ssyncadd.s32 $0xFFFFE000  }
0xa4: {  	[tilespmem:s23], [sflag:$0x4] =	stream.indirect.gather [hbm4b:s3+s15], $0x40, s11, s15, $0xb8;
	[tilespmem:$0x16400] =	vst v63  }
0xa5: {  	_ =	swait.ge [sflag:s7], $0x2000  }
0xa6: {  	[sflag:s7] =	ssyncset.done $0x0  }
0xa7: {  	s11 =	sadd.s32 $0xFFFFFE80, s14;
	[sflag:s7] =	ssyncadd.s32 $0xFFFFE000  }
0xa8: {  	[tilespmem:s25], [sflag:$0x5] =	stream.indirect.gather [hbm4b:s3+s15], $0x40, s11, s15, $0xb8;
	[tilespmem:$0x16400] =	vst v63  }
0xa9: {  	_ =	swait.ge [sflag:s8], $0x2000  }
0xaa: {  	[sflag:s8] =	ssyncset.done $0x0  }
0xab: {  	s12 =	smov.u32 s14;
	s11 =	sadd.s32 $0xFFFFFF00, s14;
	[sflag:s8] =	ssyncadd.s32 $0xFFFFE000  }
0xac: {  	[tilespmem:s28], [sflag:$0x6] =	stream.indirect.gather [hbm4b:s3+s15], $0x40, s11, s15, $0xb8;
	[tilespmem:$0x16400] =	vst v63  }
0xad: {  	p0 =	sne.s32 s13, $0x2E000;
	s13 =	sadd.s32 $0x2000, s13;
	_ =	swait.ge [sflag:s9], $0x2000  }
0xae: {  	s16 =	simm.s32 $0x6400;
	s17 =	simm.s32 $0x8400;
	[sflag:s9] =	ssyncset.done $0x0  }
.Ltmp0:
0xaf: {  	s11 =	sadd.s32 $0xFFFFFF80, s14;
	[sflag:s9] =	ssyncadd.s32 $0xFFFFE000;
	(pc) =	sbr.rel @p0 .LBB2_2-.Ltmp0, $4  }
0xb0: {  	[tilespmem:s30], [sflag:$0x7] =	stream.indirect.gather [hbm4b:s3+s15], $0x40, s11, s15, $0xb8;
	[tilespmem:$0x16400] =	vst v63  }
0xb1: {  	s19 =	simm.s32 $0xA400;
	s21 =	simm.s32 $0xC400;
	_ =	swait.ge [sflag:s10], $0x2000  }
0xb2: {  	s23 =	simm.s32 $0xE400;
	s25 =	simm.s32 $0x10400;
	[sflag:s10] =	ssyncset.done $0x0  }
0xb3: {  	s28 =	simm.s32 $0x12400;
	s14 =	sadd.s32 $0x400, s14;
	[sflag:s10] =	ssyncadd.s32 $0xFFFFE000  }
0xb4: {  	s13 =	simm.s32 $0x14400;
	s11 =	simm.s32 $0x1  }
0xb5: {  	[tilespmem:s13], [sflag:$0x8] =	stream.indirect.gather [hbm4b:s3+s15], $0x40, s12, s15, $0xb8;
	[tilespmem:$0x16400] =	vst v63  }
0xb6: {  	_ =	swait.ge [sflag:s11], $0x2000  }
0xb7: {  	[sflag:s11] =	ssyncset.done $0x0  }
0xb8: {  	s14 =	rddreg [dreg:$0xc];
	[sflag:s11] =	ssyncadd.s32 $0xFFFFE000  }
0xb9: {  	[hbm4b:s14+s2] =	stream.linear.scatter [tilespmem:s16], [sflag:$0x9], $0x2000, $0x38;
	[tilespmem:$0x16400] =	vst v63  }
0xba: {  	_ =	swait.ge [sflag:s1], $0x2000  }
0xbb: {  	[sflag:s1] =	ssyncset.done $0x0  }
0xbc: {  	s12 =	rddreg [dreg:$0xd];
	[sflag:s1] =	ssyncadd.s32 $0xFFFFE000  }
0xbd: {  	[hbm4b:s12+s2] =	stream.linear.scatter [tilespmem:s17], [sflag:$0xA], $0x2000, $0x38;
	[tilespmem:$0x16400] =	vst v63  }
0xbe: {  	_ =	swait.ge [sflag:s0], $0x2000  }
0xbf: {  	[sflag:s0] =	ssyncset.done $0x0  }
0xc0: {  	s14 =	rddreg [dreg:$0xe];
	[sflag:s0] =	ssyncadd.s32 $0xFFFFE000  }
0xc1: {  	[hbm4b:s14+s2] =	stream.linear.scatter [tilespmem:s19], [sflag:$0xB], $0x2000, $0x38;
	[tilespmem:$0x16400] =	vst v63  }
0xc2: {  	_ =	swait.ge [sflag:s18], $0x2000  }
0xc3: {  	[sflag:s18] =	ssyncset.done $0x0  }
0xc4: {  	s16 =	rddreg [dreg:$0xf];
	[sflag:s18] =	ssyncadd.s32 $0xFFFFE000  }
0xc5: {  	[hbm4b:s16+s2] =	stream.linear.scatter [tilespmem:s21], [sflag:$0xC], $0x2000, $0x38;
	[tilespmem:$0x16400] =	vst v63  }
0xc6: {  	_ =	swait.ge [sflag:s20], $0x2000  }
0xc7: {  	[sflag:s20] =	ssyncset.done $0x0  }
0xc8: {  	s17 =	rddreg [dreg:$0x10];
	[sflag:s20] =	ssyncadd.s32 $0xFFFFE000  }
0xc9: {  	[hbm4b:s17+s2] =	stream.linear.scatter [tilespmem:s23], [sflag:$0xD], $0x2000, $0x38;
	[tilespmem:$0x16400] =	vst v63  }
0xca: {  	_ =	swait.ge [sflag:s22], $0x2000  }
0xcb: {  	[sflag:s22] =	ssyncset.done $0x0  }
0xcc: {  	s19 =	rddreg [dreg:$0x11];
	[sflag:s22] =	ssyncadd.s32 $0xFFFFE000  }
0xcd: {  	[hbm4b:s19+s2] =	stream.linear.scatter [tilespmem:s25], [sflag:$0xE], $0x2000, $0x38;
	[tilespmem:$0x16400] =	vst v63  }
0xce: {  	_ =	swait.ge [sflag:s24], $0x2000  }
0xcf: {  	[sflag:s24] =	ssyncset.done $0x0  }
0xd0: {  	s21 =	rddreg [dreg:$0x12];
	[sflag:s24] =	ssyncadd.s32 $0xFFFFE000  }
0xd1: {  	[hbm4b:s21+s2] =	stream.linear.scatter [tilespmem:s28], [sflag:$0xF], $0x2000, $0x38;
	[tilespmem:$0x16400] =	vst v63  }
0xd2: {  	_ =	swait.ge [sflag:s26], $0x2000  }
0xd3: {  	[sflag:s26] =	ssyncset.done $0x0  }
0xd4: {  	s23 =	rddreg [dreg:$0x13];
	[sflag:s26] =	ssyncadd.s32 $0xFFFFE000  }
0xd5: {  	[hbm4b:s23+s2] =	stream.linear.scatter [tilespmem:s13], [sflag:$0x10], $0x2000, $0x38;
	[tilespmem:$0x16400] =	vst v63  }
0xd6: {  	_ =	swait.ge [sflag:s29], $0x2000  }
0xd7: {  	[sflag:s29] =	ssyncset.done $0x0  }
0xd8: {  	[sflag:s29] =	ssyncadd.s32 $0xFFFFE000  }
0xd9: {  	_ =	swait.ge [sflag:s4], $0x2000  }
0xda: {  	[sflag:s4] =	ssyncset.done $0x0  }
0xdb: {  	[sflag:s4] =	ssyncadd.s32 $0xFFFFE000  }
0xdc: {  	_ =	swait.ge [sflag:s5], $0x2000  }
0xdd: {  	[sflag:s5] =	ssyncset.done $0x0  }
0xde: {  	[sflag:s5] =	ssyncadd.s32 $0xFFFFE000  }
0xdf: {  	_ =	swait.ge [sflag:s6], $0x2000  }
0xe0: {  	[sflag:s6] =	ssyncset.done $0x0  }
0xe1: {  	[sflag:s6] =	ssyncadd.s32 $0xFFFFE000  }
0xe2: {  	_ =	swait.ge [sflag:s7], $0x2000  }
0xe3: {  	[sflag:s7] =	ssyncset.done $0x0  }
0xe4: {  	[sflag:s7] =	ssyncadd.s32 $0xFFFFE000  }
0xe5: {  	_ =	swait.ge [sflag:s8], $0x2000  }
0xe6: {  	[sflag:s8] =	ssyncset.done $0x0  }
0xe7: {  	[sflag:s8] =	ssyncadd.s32 $0xFFFFE000  }
0xe8: {  	_ =	swait.ge [sflag:s9], $0x2000  }
0xe9: {  	[sflag:s9] =	ssyncset.done $0x0  }
0xea: {  	[sflag:s9] =	ssyncadd.s32 $0xFFFFE000  }
0xeb: {  	_ =	swait.ge [sflag:s10], $0x2000  }
0xec: {  	s25 =	rddreg [dreg:$0x15]  }
0xed: {  	s28 =	rddreg [dreg:$0x14];
	s12 =	sadd.s32 $0x1, s25  }
0xee: {  	p0 =	sne.s32 s12, s28  }
.Ltmp1:
0xef: {  	_ = 	snop;
	(pc) =	sbr.rel @p0 .LBB2_1-.Ltmp1, $3  }
0xf0: {  	_ =	sdelay $0x1  }
0xf1: {  	[sflag:s10] =	ssyncset.done $0x0  }
0xf2: {  	[sflag:s10] =	ssyncadd.s32 $0xFFFFE000  }
0xf3: {  	_ =	sfence.sel $0x180000  }
0xf4: {  	[bflag:$0x0] =	sbarrier.arrive $0xFFFF  }
0xf5: {  	_ =	strace $0x90000047  }
0xf6: {  	s0 =	stileid.u32;
	[bflag:$0x2] =	sbarrier.arrive $0xFFFF  }
0xf7: {  	p0 =	sne.s32 s0, $0x0;
	s0 =	rddreg [dreg:$0x2]  }
0xf8: {  	s0 =	sadd.s32 @!p0 $0x100000, s0  }
0xf9: {  	[sflag:s0] =	ssyncadd.tile.s32 @!p0 $0x1;
	_ =	shalt  }
.Lfunc_end2:
_tile_overlayer_lowered:
.L_overlay_start_2:
0xfa: {  	(tag) =	ssettag $0x2  }
0xfb: {  	s0 =	rddreg [dreg:$0x0];
	s2 =	stileid.u32  }
0xfc: {  	s1 =	rddreg [dreg:$0x1];
	p0 =	sne.s32 s2, $0x0  }
0xfd: {  	s3 =	rddreg [dreg:$0x2];
	[bflag:$0x3] =	sbarrier.arrive $0xFFFF;
	s2 =	simm.s32 @!p0 $0x1C11  }
0xfe: {  	[timem:s3], [sflag:s2] =	dma.local @!p0 [hbm:s0], s1  }
0xff: {  	s0 =	simm.s32 @!p0 $0x11  }
0x100: {  	_ =	swait.ge @!p0 [sflag:s0], s1  }
0x101: {  	s1 =	ssub.s32 @!p0 $0x0, s1;
	[sflag:s0] =	ssyncset.done @!p0 $0x0  }
0x102: {  	[sflag:s0] =	ssyncadd.s32 @!p0 s1  }
0x103: {  	[bflag:$0x3] =	sbarrier.arrive $0xFFFF  }
0x104: {  	_ =	shalt  }

// kernel: sparse-core-data-format-call.cloned.1.call-start
scs
called_computation_lowered:
.L_overlay_start_0:
0x0: {  	s2 =	sld [smem:$0x3FD9]  }
0x1: {  	s3 =	sld [smem:$0x3FFE];
	_ =	sdelay $0x1  }
0x2: {  	s1 =	srdreg.scid  }
0x3: {  	s0 =	sand.u32 $0x1, s1  }
0x4: {  	s18 =	sshll.u32 s0, $0xA;
	s2 =	sadd.s32 s3, s2  }
0x5: {  	s2 =	sadd.s32 s2, s18  }
0x6: {  	[smem:$0x3FC6] =	sst s2  }
0x7: {  	_ = 	snop  }
0x8: {  	s2 =	sld [smem:$0x3FD0];
	(tm) =	ssettm $0x1  }
0x9: {  	s19 =	sld [smem:$0x3FFB];
	_ =	sdelay $0x3  }
0xa: {  	_ =	strace s19  }
0xb: {  	s3 =	sld [smem:$0x3FFC];
	_ =	sdelay $0x3  }
0xc: {  	_ =	strace s3  }
0xd: {  	s3 =	sld [smem:$0x3FFD];
	_ =	sdelay $0x3  }
0xe: {  	_ =	strace s3  }
0xf: {  	_ =	strace $0x8FFFFFFF  }
0x10: {  	s20 =	sld [smem:$0x3FDB];
	_ =	sdelay $0x1  }
0x11: {  	s4 =	simm.s32 $_scs_section_size  }
0x12: {  	s5 =	simm.s32 $_size__tile_overlayer_lowered;
	s6 =	simm.s32 $_tile_overlayer_lowered  }
0x13: {  	s23 =	simm.s32 $0x1BFF;
	s22 =	sshll.u32 s6, $0x1;
	s3 =	sadd.s32 s4, s20  }
0x14: {  	s7 =	simm.s32 $0x0;
	s21 =	sshll.u32 s5, $0x1;
	s5 =	sadd.s32 s22, s3  }
0x15: {  	[timem:s7], [sflag:s23] =	dma.local [hbm:s5], s21  }
0x16: {  	_ =	swait.ge [sflag:s23], s21  }
0x17: {  	s4 =	ssub.s32 $0x0, s21;
	[sflag:s23] =	ssyncset.done $0x0  }
0x18: {  	[sflag:s23] =	ssyncadd.s32 s4;
	_ =	sdelay $0x1  }
0x19: {  	s24 =	simm.s32 $0x1B8B  }
0x1a: {  	_ =	swait.ge [sflag:s24], $0x1  }
0x1b: {  	[sflag:s24] =	ssyncset.done $0x0  }
0x1c: {  	s26 =	simm.s32 $0x1B8E;
	s25 =	sld [smem:$0x3FFE];
	[sflag:s24] =	ssyncadd.s32 $0xFFFFFFFF  }
0x1d: {  	s27 =	simm.s32 $execute0_lowered;
	[smem:$0x3FD2] =	sst s26  }
0x1e: {  	s5 =	sshll.u32 s27, $0x1;
	_ =	strace $0x80000049;
	[dreg:$0x1] =	wrdreg $0xFFFFFFFF  }
0x1f: {  	s28 =	simm.s32 $_size_execute0_lowered;
	s3 =	sadd.s32 s3, s5;
	[dreg:$0x0] =	wrdreg $0x0  }
0x20: {  	s5 =	sshll.u32 s28, $0x1;
	[dreg:$0x2] =	wrdreg s3  }
0x21: {  	[dreg:$0x3] =	wrdreg s5  }
0x22: {  	[dreg:$0x4] =	wrdreg $0xC0  }
0x23: {  	_ =	task [dreg:s7], $0x5FFFF  }
0x24: {  	[dreg:$0x1] =	wrdreg $0xFFFFFFFF  }
0x25: {  	[dreg:$0x0] =	wrdreg $0x60  }
0x26: {  	[dreg:$0x2] =	wrdreg s25  }
0x27: {  	[dreg:$0x3] =	wrdreg s2  }
0x28: {  	[dreg:$0x4] =	wrdreg $0x9  }
0x29: {  	_ =	task.clear_ibuf [dreg:s7], $0x5FFFF;
	_ =	strace $0x90000049  }
0x2a: {  	s29 =	simm.s32 $0x9;
	_ =	strace $0x8000004B  }
0x2b: {  	_ =	swait.ge [sflag:s29], $0x1  }
0x2c: {  	[sflag:s29] =	ssyncadd.s32 $0xFFFFFFFF  }
0x2d: {  	_ =	strace $0x9000004B  }
0x2e: {  	_ =	sfence  }
0x2f: {  	s30 =	sld [smem:$0x0];
	_ =	sdelay $0x2  }
0x30: {  	s31 =	sshll.u32 s1, $0xD;
	s1 =	sshrl.u32 s1, $0x2  }
0x31: {  	s3 =	sand.u32 $0x4000, s31;
	s1 =	sadd.s32 s1, s30  }
0x32: {  	s0 =	sor.u32 s3, s0;
	s1 =	sshll.u32 s1, $0x11  }
0x33: {  	s0 =	sor.u32 s1, s0  }
0x34: {  	s0 =	sadd.s32 $0x8F2B, s0  }
0x35: {  	[sflag:s0] =	ssyncadd.remote.s32 $0x1  }
0x36: {  	_ =	sfence.sel $0xFFFF  }
0x37: {  	[dreg:$0x0] =	wrdreg $0xFFFFFFFF;
	(pc) =	sbr.abs _section_cstart, $3  }
0x38: {  	[dreg:$0x1] =	wrdreg $0xFFFFFFFF  }
0x39: {  	_ =	task.clear_ibuf [dreg:s7], $0x2FFFF;
	_ =	strace $0x9FFFFFFF  }
0x3a: {  	(tm) =	ssettm $0x7FFFFFFF  }
0x3b: {  	_ =	shalt  }
tec
execute0_lowered:
.L_overlay_start_1:
0x0: {  	(tag) =	ssettag $0x1  }
0x1: {  	s0 =	srdreg.scid  }
0x2: {  	s1 =	sshll.u32 s0, $0x4  }
0x3: {  	s0 =	stileid.u32;
	s1 =	sand.u32 $0x10, s1  }
0x4: {  	s1 =	sor.u32 s0, s1  }
0x5: {  	s6 =	rddreg [dreg:$0x0];
	s4 =	simm.s32 $0x1;
	s2 =	sshll.u32 s1, $0x7  }
0x6: {  	s7 =	simm.s32 $0x2;
	s12 =	simm.s32 $0x0;
	s1 =	ssub.s32 $0x4000, s2  }
0x7: {  	s8 =	simm.s32 $0x20000;
	s13 =	simm.s32 $0x0;
	s3 =	sand.u32 $0xF80, s1  }
0x8: {  	s9 =	simm.s32 $0x0;
	s5 =	sshrl.u32 s1, $0xC;
	p0 =	sne.s32 s3, $0x0  }
.Ltmp0:
0x9: {  	s1 =	rddreg [dreg:$0x2];
	s4 =	simm.s32 @!p0 $0x0;
	(pc) =	sbr.rel .LBB1_1-.Ltmp0, $4  }
0xa: {  	s11 =	simm.s32 $0x0;
	s3 =	rddreg [dreg:$0x1];
	s5 =	sadd.s32 s4, s5  }
0xb: {  	_ =	strace $0x8000004A;
	s4 =	simm.s32 $0x1;
	s5 =	smul.u32 $0x32, s5  }
0xc: {  	s6 =	sadd.s32 $0xA00, s6;
	s10 =	smov.u32 s2;
	[sflag:s4] =	ssyncpa.u1 $0x0  }
0xd: {  	p0 =	por $0x0, $0x0;
	[sflag:s7] =	ssyncpa.u1 $0x0;
	s7 =	sor.u32 $0x1, s5  }
.LBB1_4:
0xe: {  	s16 =	sshll.u32 s13, $0x3;
	s17 =	sand.u32 $0x78, s13  }
0xf: {  	s30 =	sand.u32 $0x1F800, s13;
	s12 =	sshll.u32 s12, $0x11;
	s16 =	sand.u32 $0x3C00, s16  }
0x10: {  	[tilespmem:s15+$0x810 ss:$0x81] =	vst.msk $0xffff, v2;
	s31 =	sand.u32 $0x7, s13;
	s16 =	sor.u32 s17, s16;
	s17 =	sadd.s32 s3, s30  }
0x11: {  	[tilespmem:s15+$0x1020 ss:$0x81] =	vst.msk $0xffff, v0;
	s13 =	sshll.u32 s31, $0x12;
	s12 =	sadd.s32 s12, s17;
	s16 =	sshrl.u32 s16, $0x3  }
0x12: {  	[tilespmem:s15+$0x0 ss:$0x81] =	vst.msk $0xffff, v1;
	s13 =	sor.u32 $0x400, s13;
	s12 =	sadd.s32 s16, s12  }
0x13: {  	[hbm4b:s12+s13] =	stream.strided.scatter [tilespmem:s14], [sflag:$0x2], $0x2000, s8, s13, $0x20;
	[tilespmem:$0x8080] =	vst v63  }
.LBB1_5:
0x14: {  	s14 =	sadd.s32 $0x1, s9  }
0x15: {  	s12 =	sadd.s32 $0x1000, s10;
	s16 =	smov.u32 s10;
	p2 =	sgt.s32 s14, $0x31  }
0x16: {  	s16 =	smov.u32 @p2 s12  }
0x17: {  	s14 =	simm.s32 @p2 $0x0;
	p2 =	sgt.s32 s16, $0x3FFF  }
0x18: {  	s16 =	smov.u32 @p2 s2;
	p2 =	sne.s32 s11, s7  }
.Ltmp1:
0x19: {  	p1 =	slt.u32 s11, $0x2;
	(pc) =	sbr.rel @!p2 .LBB1_6-.Ltmp1, $4  }
0x1a: {  	s15 =	simm.s32 @!p1 $0x2  }
0x1b: {  	s13 =	smov.u32 s10;
	p0 =	por !p0, !p0;
	_ =	swait.ge @!p1 [sflag:s15], $0x2000  }
0x1c: {  	s12 =	smov.u32 s9;
	[sflag:s15] =	ssyncset.done @!p1 $0x0;
	s9 =	smov.u32 s14  }
0x1d: {  	s11 =	sadd.s32 $0x1, s11;
	[sflag:s15] =	ssyncadd.s32 @!p1 $0xFFFFE000;
	s10 =	smov.u32 s16  }
.LBB1_1:
0x1e: {  	p1 =	sge.u32 s11, s5  }
0x1f: {  	s14 =	sand.u32 @!p1 $0x1FFFFFF, s9  }
0x20: {  	s15 =	smulhi.u32 @!p1 $0x4924925, s14;
	_ =	sdelay $0x1  }
0x21: {  	s15 =	smul.u32 @!p1 $0x38, s15  }
0x22: {  	s16 =	sxor.u32 @!p1 $0xFFFFFFFF, s11;
	s17 =	smul.u32 @!p1 $0x380, s10  }
0x23: {  	s31 =	sadd.s32 $0xFFFFFFFF, s11;
	s16 =	sshll.u32 @!p1 s16, $0xD;
	s14 =	ssub.s32 @!p1 s14, s15  }
0x24: {  	s15 =	sand.u32 @!p1 $0x2000, s16;
	s16 =	sadd.s32 @!p1 s6, s17;
	s14 =	sshll.u32 @!p1 s14, $0x4  }
0x25: {  	s17 =	simm.s32 @!p1 $0x1C00;
	s14 =	sadd.s32 @!p1 s14, s16;
	s16 =	simm.s32 @!p1 $0x40  }
0x26: {  	[tilespmem:s15], [sflag:$0x1] =	stream.strided.gather @!p1 [hbm4b:s14+s16], $0x2000, s17, s16, $0x38;
	[tilespmem:$0x8080] =	vst v63  }
0x27: {  	p1 =	sge.u32 s31, s5  }
.Ltmp2:
0x28: {  	_ = 	snop;
	(pc) =	sbr.rel @p1 .LBB1_5-.Ltmp2, $1  }
0x29: {  	_ =	sdelay $0x3  }
0x2a: {  	s14 =	simm.s32 $0x1  }
0x2b: {  	_ =	swait.ge [sflag:s4], $0x2000;
	s14 =	simm.s32 @!p0 $0x0  }
0x2c: {  	[sflag:s4] =	ssyncset.done $0x0;
	s15 =	sshll.u32 s14, $0xD  }
0x2d: {  	[sflag:s4] =	ssyncadd.s32 $0xFFFFE000;
	s18 =	sor.u32 $0x20, s15  }
0x2e: {  	s14 =	smul.u32 $0x8100, s14;
	v3 =	vld [tilespmem:s18+$0x10]  }
0x2f: {  	s30 =	sand.u32 $0x1, s11;
	v2 =	vld [tilespmem:s18+$0xFFFFFFF0]  }
0x30: {  	s15 =	smul.u32 $0x8100, s30;
	s14 =	sshrl.u32 s14, $0x2;
	v0 =	vld [tilespmem:s18+$0x0]  }
0x31: {  	v1 =	vld [tilespmem:s18+$0xFFFFFFE0];
	s16 =	sor.u32 $0x4000, s14  }
0x32: {  	s31 =	sshrl.u32 s15, $0x2;
	s15 =	sadd.s32 $0x0, s16  }
0x33: {  	s17 =	simm.s32 $0x4;
	s18 =	sadd.s32 $0x40, s18;
	s14 =	sor.u32 $0x4000, s31;
	[tilespmem:s15+$0x1830 ss:$0x81] =	vst.msk $0xffff, v3  }
.LBB1_3:
0x34: {  	v3 =	vld [tilespmem:s18+$0x10];
	p1 =	sne.s32 s17, $0x1FC;
	[tilespmem:s15+$0x810 ss:$0x81] =	vst.msk $0xffff, v2;
	s19 =	smov.u32 s17;
	s17 =	sadd.s32 $0x4, s17  }
.Ltmp3:
0x35: {  	v2 =	vld [tilespmem:s18+$0xFFFFFFF0];
	[tilespmem:s15+$0x1020 ss:$0x81] =	vst.msk $0xffff, v0;
	(pc) =	sbr.rel @p1 .LBB1_3-.Ltmp3, $4  }
0x36: {  	v0 =	vld [tilespmem:s18+$0x0];
	[tilespmem:s15+$0x0 ss:$0x81] =	vst.msk $0xffff, v1  }
0x37: {  	s15 =	sshra.s32 s19, $0x2;
	v1 =	vld [tilespmem:s18+$0xFFFFFFE0]  }
0x38: {  	s15 =	sadd.s32 s15, s16  }
0x39: {  	s18 =	sadd.s32 $0x40, s18;
	[tilespmem:s15+$0x1830 ss:$0x81] =	vst.msk $0xffff, v3  }
.Ltmp4:
0x3a: {  	_ = 	snop;
	(pc) =	sbr.rel .LBB1_4-.Ltmp4, $1  }
0x3b: {  	_ =	sdelay $0x3  }
.LBB1_6:
0x3c: {  	_ =	sfence.sel $0x180000  }
0x3d: {  	s2 =	simm.s32 $0x1;
	[bflag:$0x0] =	sbarrier.arrive $0xFFFF  }
0x3e: {  	s31 =	simm.s32 $0x2;
	[sflag:s2] =	ssyncpa.u1 $0x1  }
0x3f: {  	[sflag:s31] =	ssyncpa.u1 $0x1  }
0x40: {  	p0 =	sne.s32 s0, $0x0;
	_ =	strace $0x9000004A  }
0x41: {  	s0 =	sadd.s32 @!p0 $0x100000, s1;
	[bflag:$0x2] =	sbarrier.arrive $0xFFFF  }
0x42: {  	[sflag:s0] =	ssyncadd.tile.s32 @!p0 $0x1;
	_ =	shalt  }
.Lfunc_end1:
_tile_overlayer_lowered:
.L_overlay_start_2:
0x43: {  	(tag) =	ssettag $0x2  }
0x44: {  	s0 =	rddreg [dreg:$0x0];
	s2 =	stileid.u32  }
0x45: {  	s1 =	rddreg [dreg:$0x1];
	p0 =	sne.s32 s2, $0x0  }
0x46: {  	s3 =	rddreg [dreg:$0x2];
	[bflag:$0x3] =	sbarrier.arrive $0xFFFF;
	s2 =	simm.s32 @!p0 $0x1C01  }
0x47: {  	[timem:s3], [sflag:s2] =	dma.local @!p0 [hbm:s0], s1  }
0x48: {  	s0 =	simm.s32 @!p0 $0x1  }
0x49: {  	_ =	swait.ge @!p0 [sflag:s0], s1  }
0x4a: {  	s1 =	ssub.s32 @!p0 $0x0, s1;
	[sflag:s0] =	ssyncset.done @!p0 $0x0  }
0x4b: {  	[sflag:s0] =	ssyncadd.s32 @!p0 s1  }
0x4c: {  	[bflag:$0x3] =	sbarrier.arrive $0xFFFF  }
0x4d: {  	_ =	shalt  }

</sc_bundles>
